<compile_context>
chip_gen: v7x
topology: tpu7x:2x2x1
jax: 0.10.2.dev20260603
libtpu: 0.0.44.dev20260713+nightly
codegen_flags: <defaults>
</compile_context>

<pallas_src>
import functools

import jax
import jax.numpy as jnp
from jax import lax
from jax.experimental import pallas as pl
from jax.experimental.pallas import tpu as pltpu
from jax.experimental.pallas import tpu_sc as plsc

N = 10000
E = 320000
D = 128
NW = 32
EPW = E // NW
CHUNK = 128
NCHUNK = 79
EPW_PAD = NCHUNK * CHUNK
NPAD = 10112
RPT = NPAD // 16


def _segsum_body(h_hbm, srcs_hbm, dsts_hbm, zrow_hbm, out_hbm,
                 src_v, dst_v, acc):
    cid = lax.axis_index("c")
    sid = lax.axis_index("s")
    wid = sid * 2 + cid

    r0 = sid * RPT
    pltpu.sync_copy(zrow_hbm, acc.at[pl.ds(r0, RPT)])
    pltpu.sync_copy(srcs_hbm.at[wid], src_v)
    pltpu.sync_copy(dsts_hbm.at[wid], dst_v)
    plsc.subcore_barrier()

    @plsc.parallel_loop(0, NCHUNK, unroll=4)
    def chunk(j):
        def inner(rows_l, sem_l):
            pltpu.async_copy(h_hbm.at[src_v.at[j]], rows_l, sem_l).wait()
            pltpu.sync_copy(rows_l, acc.at[dst_v.at[j]], add=True)

        pl.run_scoped(inner,
                      rows_l=pltpu.VMEM((CHUNK, D), jnp.float32),
                      sem_l=pltpu.SemaphoreType.DMA)

    plsc.subcore_barrier()
    pltpu.sync_copy(acc.at[pl.ds(r0, RPT)], out_hbm.at[cid, pl.ds(r0, RPT)])


def _deg_body(dsts_hbm, zrow_hbm, ones_hbm, outdeg_hbm,
              dst_v, ones_v, accd):
    cid = lax.axis_index("c")
    sid = lax.axis_index("s")
    wid = sid * 2 + cid

    r0 = sid * RPT
    pltpu.sync_copy(zrow_hbm, accd.at[pl.ds(r0, RPT)])
    pltpu.sync_copy(ones_hbm, ones_v)
    pltpu.sync_copy(dsts_hbm.at[wid], dst_v)
    plsc.subcore_barrier()

    def chunk(j, carry):
        pltpu.sync_copy(ones_v, accd.at[dst_v.at[j]], add=True)
        return carry

    lax.fori_loop(0, NCHUNK, chunk, 0)
    plsc.subcore_barrier()
    pltpu.sync_copy(accd.at[pl.ds(r0, RPT)],
                    outdeg_hbm.at[cid, pl.ds(r0, RPT)])


def _sc_mesh():
    return plsc.VectorSubcoreMesh(core_axis_name="c", subcore_axis_name="s")


_segsum = pl.kernel(
    _segsum_body, mesh=_sc_mesh(),
    out_type=[jax.ShapeDtypeStruct((2, NPAD, D), jnp.float32)],
    scratch_types=[
        pltpu.VMEM((NCHUNK, CHUNK), jnp.int32),
        pltpu.VMEM((NCHUNK, CHUNK), jnp.int32),
        pltpu.VMEM_SHARED((NPAD, D), jnp.float32),
    ])

_deg = pl.kernel(
    _deg_body, mesh=_sc_mesh(),
    out_type=[jax.ShapeDtypeStruct((2, NPAD, D), jnp.float32)],
    scratch_types=[
        pltpu.VMEM((NCHUNK, CHUNK), jnp.int32),
        pltpu.VMEM((CHUNK, D), jnp.float32),
        pltpu.VMEM_SHARED((NPAD, D), jnp.float32),
    ])


def _tc_layer_body(first, last, *refs):
    if first:
        (h_ref, p_ref, dp_ref, w1_ref, b1_ref, w2_ref, b2_ref, g_ref, be_ref,
         hn_ref, invd_ref) = refs
    elif last:
        (h_ref, p_ref, invd_in, w1_ref, b1_ref, w2_ref, b2_ref, g_ref, be_ref,
         wp_ref, bp_ref, out_ref) = refs
    else:
        (h_ref, p_ref, invd_in, w1_ref, b1_ref, w2_ref, b2_ref, g_ref, be_ref,
         hn_ref) = refs

    h = h_ref[...]
    p = p_ref[0, :N, :] + p_ref[1, :N, :]
    if first:
        deg = dp_ref[0, :N, 0:1] + dp_ref[1, :N, 0:1]
        invd = 1.0 / jnp.maximum(deg, 1.0)
        invd_ref[...] = invd
    else:
        invd = invd_in[...]
    r = h + p * invd
    z = jnp.maximum(jnp.dot(r, w1_ref[...],
                            preferred_element_type=jnp.float32) + b1_ref[...],
                    0.0)
    z = jnp.dot(z, w2_ref[...], preferred_element_type=jnp.float32) + b2_ref[...]
    mu = jnp.mean(z, axis=0, keepdims=True)
    zc = z - mu
    var = jnp.mean(zc * zc, axis=0, keepdims=True)
    hn = jnp.maximum(zc * (lax.rsqrt(var + 1e-5) * g_ref[...]) + be_ref[...],
                     0.0)
    if last:
        hg = jnp.mean(hn, axis=0, keepdims=True)
        out_ref[...] = jnp.dot(hg, wp_ref[...],
                               preferred_element_type=jnp.float32) + bp_ref[...]
    else:
        hn_ref[...] = hn


def _tc_layer(first, last, args):
    if first:
        out_shape = [jax.ShapeDtypeStruct((N, D), jnp.float32),
                     jax.ShapeDtypeStruct((N, 1), jnp.float32)]
    elif last:
        out_shape = jax.ShapeDtypeStruct((1, D), jnp.float32)
    else:
        out_shape = jax.ShapeDtypeStruct((N, D), jnp.float32)
    return pl.pallas_call(
        functools.partial(_tc_layer_body, first, last),
        out_shape=out_shape,
    )(*args)


def kernel(features, edge_index, W1, b1, W2, b2, gamma, beta, Wp, bp):
    src = edge_index[0].astype(jnp.int32)
    dst = edge_index[1].astype(jnp.int32)
    srcs = jnp.pad(src.reshape(NW, EPW),
                   ((0, 0), (0, EPW_PAD - EPW))).reshape(NW, NCHUNK, CHUNK)
    pad_dst = jnp.broadcast_to(
        (N + jnp.arange(NW, dtype=jnp.int32))[:, None], (NW, EPW_PAD - EPW))
    dsts = jnp.concatenate([dst.reshape(NW, EPW), pad_dst],
                           axis=1).reshape(NW, NCHUNK, CHUNK)
    zrow = jnp.zeros((RPT, D), jnp.float32)
    ones = jnp.ones((CHUNK, D), jnp.float32)

    h = features
    invd = None
    (dp,) = _deg(dsts, zrow, ones)
    for i in range(3):
        (p,) = _segsum(h, srcs, dsts, zrow)
        if i == 0:
            h, invd = _tc_layer(True, False,
                                (h, p, dp, W1[i], b1[i], W2[i], b2[i],
                                 gamma[i], beta[i]))
        elif i < 2:
            h = _tc_layer(False, False,
                          (h, p, invd, W1[i], b1[i], W2[i], b2[i],
                           gamma[i], beta[i]))
        else:
            return _tc_layer(False, True,
                             (h, p, invd, W1[i], b1[i], W2[i], b2[i],
                              gamma[i], beta[i], Wp, bp))

# --- scband reference (transcript-rebuilt; emitter-appended) ---
"""Pipeline reference for scband-ginmodel-59390807769652 (READ-ONLY COPY).

The authoritative reference and input builder live on the scoring server;
editing this copy changes nothing except your own understanding.
"""

import jax, jax.numpy as jnp
import numpy as np

N = 10000
E = 320000
D = 128
H = 128
O = 128
L = 3

def setup_inputs(seed: int = 0) -> dict:
    key = jax.random.key(seed)
    ks = jax.random.split(key, 12)
    x = jax.random.normal(ks[0], (N, D), dtype=jnp.float32)
    edge_index = jax.random.randint(ks[1], (2, E), 0, N, dtype=jnp.int64)
    # stacked per-layer MLP params (input_dim == hidden_dim so all layers share shapes)
    W1 = jax.random.normal(ks[2], (L, D, H), dtype=jnp.float32) * 0.05
    b1 = jnp.zeros((L, H), dtype=jnp.float32)
    W2 = jax.random.normal(ks[3], (L, H, H), dtype=jnp.float32) * 0.05
    b2 = jnp.zeros((L, H), dtype=jnp.float32)
    gamma = jnp.ones((L, H), dtype=jnp.float32)
    beta = jnp.zeros((L, H), dtype=jnp.float32)
    Wp = jax.random.normal(ks[4], (H, O), dtype=jnp.float32) * 0.05
    bp = jnp.zeros((O,), dtype=jnp.float32)
    return {"features": x, "edge_index": edge_index, "W1": W1, "b1": b1,
            "W2": W2, "b2": b2, "gamma": gamma, "beta": beta, "Wp": Wp, "bp": bp}


def reference(features, edge_index, W1, b1, W2, b2, gamma, beta, Wp, bp):
    n = features.shape[0]
    src = edge_index[0]
    dst = edge_index[1]
    # in-degree per destination node (for mean aggregator)
    deg = jnp.zeros((n,), dtype=jnp.float32).at[dst].add(1.0)
    deg_safe = jnp.clip(deg, 1.0)[:, None]
    h = features
    for i in range(L):
        # GINConv with mean aggregator, eps=0 (DGL default, not learnable):
        # rst = (1 + eps) * h + mean_{u in N(v)} h_u
        msg_sum = jax.ops.segment_sum(h[src], dst, num_segments=n)
        agg = msg_sum / deg_safe
        r = h + agg
        # apply MLP: Linear -> ReLU -> Linear
        r = jax.nn.relu(r @ W1[i] + b1[i]) @ W2[i] + b2[i]
        # BatchNorm1d (training mode: batch statistics, biased variance)
        mu = jnp.mean(r, axis=0)
        var = jnp.mean((r - mu) ** 2, axis=0)
        r = (r - mu) / jnp.sqrt(var + 1e-5) * gamma[i] + beta[i]
        h = jax.nn.relu(r)
    # dgl.mean_nodes over the single graph -> [1, H]
    hg = jnp.mean(h, axis=0, keepdims=True)
    return hg @ Wp + bp

if __name__ == "__main__":
    import jax
    _d = setup_inputs()
    print(jax.jit(kernel)(*tuple(_d.values())))

</pallas_src>

<mosaic_0001>
#map = affine_map<(d0, d1) -> (0, 0)>
#map1 = affine_map<(d0, d1) -> (0, 0, 0)>
module attributes {stable_mosaic.version = 14 : i64} {
  func.func @_segsum_body(%arg0: i32, %arg1: i32, %arg2: memref<10000x128xf32, #tpu.memory_space<hbm>>, %arg3: memref<32x79x128xi32, #tpu.memory_space<hbm>>, %arg4: memref<32x79x128xi32, #tpu.memory_space<hbm>>, %arg5: memref<632x128xf32, #tpu.memory_space<hbm>>, %arg6: memref<2x10112x128xf32, #tpu.memory_space<hbm>>, %arg7: memref<79x128xi32, #tpu.memory_space<vmem>>, %arg8: memref<79x128xi32, #tpu.memory_space<vmem>>, %arg9: memref<10112x128xf32, #tpu.memory_space<vmem_shared>>) attributes {dimension_semantics = [#tpu.dimension_semantics<core_parallel>, #tpu.dimension_semantics<subcore_parallel>], iteration_bounds = array<i64: 2, 16>, scalar_prefetch = 0 : i64, scratch_operands = 3 : i64, tpu.core_type = #tpu.core_type<sc_vector_subcore>, window_params = [{transform_indices = #map}, {transform_indices = #map1}, {transform_indices = #map1}, {transform_indices = #map}, {transform_indices = #map1}]} {
    %mul3A = arith.constant 2 : i32
    %mul3A_0 = arith.muli %arg1, %mul3A : i32
    %add3A = arith.addi %mul3A_0, %arg0 : i32
    %mul3A_1 = arith.constant 632 : i32
    %mul3A_2 = arith.muli %arg1, %mul3A_1 : i32
    "tpu.region"() ({
      %run_scoped3A = tpu.sem_alloc : memref<!tpu.dma_semaphore, #tpu.memory_space<semaphore_mem>>
      %dma_start3A = arith.constant 0 : i32
      %dma_start3A_6 = tpu.memref_slice %arg9[%mul3A_2, %dma_start3A] : memref<10112x128xf32, #tpu.memory_space<vmem_shared>> -> memref<632x128xf32, #tpu.memory_space<vmem_shared>>
      tpu.enqueue_dma source(%arg5 : memref<632x128xf32, #tpu.memory_space<hbm>>) target(%dma_start3A_6 : memref<632x128xf32, #tpu.memory_space<vmem_shared>>) target_semaphore(%run_scoped3A : memref<!tpu.dma_semaphore, #tpu.memory_space<semaphore_mem>>)
      %dma_wait3A = arith.constant 0 : i32
      %dma_wait3A_7 = tpu.memref_slice %arg9[%mul3A_2, %dma_wait3A] : memref<10112x128xf32, #tpu.memory_space<vmem_shared>> -> memref<632x128xf32, #tpu.memory_space<vmem_shared>>
      tpu.wait_dma2 semaphore(%run_scoped3A : memref<!tpu.dma_semaphore, #tpu.memory_space<semaphore_mem>>) src(%arg5 : memref<632x128xf32, #tpu.memory_space<hbm>>) dst(%dma_wait3A_7 : memref<632x128xf32, #tpu.memory_space<vmem_shared>>)
      tpu.yield
    }) : () -> ()
    "tpu.region"() ({
      %run_scoped3A = tpu.sem_alloc : memref<!tpu.dma_semaphore, #tpu.memory_space<semaphore_mem>>
      %dma_start3A = arith.constant 0 : i32
      %dma_start3A_6 = arith.constant 0 : i32
      %dma_start3A_7 = tpu.memref_slice %arg3[%add3A, %dma_start3A, %dma_start3A_6] : memref<32x79x128xi32, #tpu.memory_space<hbm>> -> memref<1x79x128xi32, #tpu.memory_space<hbm>>
      %dma_start3A_8 = tpu.memref_squeeze %dma_start3A_7 : memref<1x79x128xi32, #tpu.memory_space<hbm>> -> memref<79x128xi32, #tpu.memory_space<hbm>>
      %dma_start3A_9 = arith.constant 0 : i32
      %dma_start3A_10 = arith.constant 0 : i32
      %dma_start3A_11 = tpu.memref_slice %arg3[%add3A, %dma_start3A_9, %dma_start3A_10] : memref<32x79x128xi32, #tpu.memory_space<hbm>> -> memref<1x79x128xi32, #tpu.memory_space<hbm>>
      %dma_start3A_12 = tpu.memref_squeeze %dma_start3A_11 : memref<1x79x128xi32, #tpu.memory_space<hbm>> -> memref<79x128xi32, #tpu.memory_space<hbm>>
      tpu.enqueue_dma source(%dma_start3A_12 : memref<79x128xi32, #tpu.memory_space<hbm>>) target(%arg7 : memref<79x128xi32, #tpu.memory_space<vmem>>) target_semaphore(%run_scoped3A : memref<!tpu.dma_semaphore, #tpu.memory_space<semaphore_mem>>)
      %dma_wait3A = arith.constant 0 : i32
      %dma_wait3A_13 = arith.constant 0 : i32
      %dma_wait3A_14 = tpu.memref_slice %arg3[%add3A, %dma_wait3A, %dma_wait3A_13] : memref<32x79x128xi32, #tpu.memory_space<hbm>> -> memref<1x79x128xi32, #tpu.memory_space<hbm>>
      %dma_wait3A_15 = tpu.memref_squeeze %dma_wait3A_14 : memref<1x79x128xi32, #tpu.memory_space<hbm>> -> memref<79x128xi32, #tpu.memory_space<hbm>>
      %dma_wait3A_16 = arith.constant 0 : i32
      %dma_wait3A_17 = arith.constant 0 : i32
      %dma_wait3A_18 = tpu.memref_slice %arg3[%add3A, %dma_wait3A_16, %dma_wait3A_17] : memref<32x79x128xi32, #tpu.memory_space<hbm>> -> memref<1x79x128xi32, #tpu.memory_space<hbm>>
      %dma_wait3A_19 = tpu.memref_squeeze %dma_wait3A_18 : memref<1x79x128xi32, #tpu.memory_space<hbm>> -> memref<79x128xi32, #tpu.memory_space<hbm>>
      tpu.wait_dma2 semaphore(%run_scoped3A : memref<!tpu.dma_semaphore, #tpu.memory_space<semaphore_mem>>) src(%dma_wait3A_19 : memref<79x128xi32, #tpu.memory_space<hbm>>) dst(%arg7 : memref<79x128xi32, #tpu.memory_space<vmem>>)
      tpu.yield
    }) : () -> ()
    "tpu.region"() ({
      %run_scoped3A = tpu.sem_alloc : memref<!tpu.dma_semaphore, #tpu.memory_space<semaphore_mem>>
      %dma_start3A = arith.constant 0 : i32
      %dma_start3A_6 = arith.constant 0 : i32
      %dma_start3A_7 = tpu.memref_slice %arg4[%add3A, %dma_start3A, %dma_start3A_6] : memref<32x79x128xi32, #tpu.memory_space<hbm>> -> memref<1x79x128xi32, #tpu.memory_space<hbm>>
      %dma_start3A_8 = tpu.memref_squeeze %dma_start3A_7 : memref<1x79x128xi32, #tpu.memory_space<hbm>> -> memref<79x128xi32, #tpu.memory_space<hbm>>
      %dma_start3A_9 = arith.constant 0 : i32
      %dma_start3A_10 = arith.constant 0 : i32
      %dma_start3A_11 = tpu.memref_slice %arg4[%add3A, %dma_start3A_9, %dma_start3A_10] : memref<32x79x128xi32, #tpu.memory_space<hbm>> -> memref<1x79x128xi32, #tpu.memory_space<hbm>>
      %dma_start3A_12 = tpu.memref_squeeze %dma_start3A_11 : memref<1x79x128xi32, #tpu.memory_space<hbm>> -> memref<79x128xi32, #tpu.memory_space<hbm>>
      tpu.enqueue_dma source(%dma_start3A_12 : memref<79x128xi32, #tpu.memory_space<hbm>>) target(%arg8 : memref<79x128xi32, #tpu.memory_space<vmem>>) target_semaphore(%run_scoped3A : memref<!tpu.dma_semaphore, #tpu.memory_space<semaphore_mem>>)
      %dma_wait3A = arith.constant 0 : i32
      %dma_wait3A_13 = arith.constant 0 : i32
      %dma_wait3A_14 = tpu.memref_slice %arg4[%add3A, %dma_wait3A, %dma_wait3A_13] : memref<32x79x128xi32, #tpu.memory_space<hbm>> -> memref<1x79x128xi32, #tpu.memory_space<hbm>>
      %dma_wait3A_15 = tpu.memref_squeeze %dma_wait3A_14 : memref<1x79x128xi32, #tpu.memory_space<hbm>> -> memref<79x128xi32, #tpu.memory_space<hbm>>
      %dma_wait3A_16 = arith.constant 0 : i32
      %dma_wait3A_17 = arith.constant 0 : i32
      %dma_wait3A_18 = tpu.memref_slice %arg4[%add3A, %dma_wait3A_16, %dma_wait3A_17] : memref<32x79x128xi32, #tpu.memory_space<hbm>> -> memref<1x79x128xi32, #tpu.memory_space<hbm>>
      %dma_wait3A_19 = tpu.memref_squeeze %dma_wait3A_18 : memref<1x79x128xi32, #tpu.memory_space<hbm>> -> memref<79x128xi32, #tpu.memory_space<hbm>>
      tpu.wait_dma2 semaphore(%run_scoped3A : memref<!tpu.dma_semaphore, #tpu.memory_space<semaphore_mem>>) src(%dma_wait3A_19 : memref<79x128xi32, #tpu.memory_space<hbm>>) dst(%arg8 : memref<79x128xi32, #tpu.memory_space<vmem>>)
      tpu.yield
    }) : () -> ()
    %barrier3A = arith.constant 0 : index
    tpu.barrier barrier_id(%barrier3A)
    %parallel_loop3A = arith.constant 0 : i32
    %parallel_loop3A_3 = arith.constant 79 : i32
    %parallel_loop3A_4 = arith.constant 1 : i32
    scf.for %parallel_loop3A_6 = %parallel_loop3A to %parallel_loop3A_3 step %parallel_loop3A_4  : i32 {
      "tpu.region"() ({
        %parallel_loop3A_7 = memref.alloca() : memref<128x128xf32, #tpu.memory_space<vmem>>
        %parallel_loop3A_8 = tpu.sem_alloc : memref<!tpu.dma_semaphore, #tpu.memory_space<semaphore_mem>>
        %parallel_loop3A_9 = arith.constant 0 : i32
        %parallel_loop3A_10 = tpu.memref_slice %arg7[%parallel_loop3A_6, %parallel_loop3A_9] : memref<79x128xi32, #tpu.memory_space<vmem>> -> memref<1x128xi32, #tpu.memory_space<vmem>>
        %parallel_loop3A_11 = tpu.memref_squeeze %parallel_loop3A_10 : memref<1x128xi32, #tpu.memory_space<vmem>> -> memref<128xi32, #tpu.memory_space<vmem>>
        %parallel_loop3A_12 = arith.constant 0 : i32
        %parallel_loop3A_13 = arith.constant 0 : i32
        %parallel_loop3A_14 = tpu.memref_slice %arg2[%parallel_loop3A_12, %parallel_loop3A_13] : memref<10000x128xf32, #tpu.memory_space<hbm>> -> memref<10000x128xf32, #tpu.memory_space<hbm>>
        tpu.enqueue_indirect_dma source(%parallel_loop3A_14 : memref<10000x128xf32, #tpu.memory_space<hbm>>) target(%parallel_loop3A_7 : memref<128x128xf32, #tpu.memory_space<vmem>>) offsets(%parallel_loop3A_11 : memref<128xi32, #tpu.memory_space<vmem>>) semaphore(%parallel_loop3A_8 : memref<!tpu.dma_semaphore, #tpu.memory_space<semaphore_mem>>)
        %parallel_loop3A_15 = arith.constant 0 : i32
        %parallel_loop3A_16 = tpu.memref_slice %arg7[%parallel_loop3A_6, %parallel_loop3A_15] : memref<79x128xi32, #tpu.memory_space<vmem>> -> memref<1x128xi32, #tpu.memory_space<vmem>>
        %parallel_loop3A_17 = tpu.memref_squeeze %parallel_loop3A_16 : memref<1x128xi32, #tpu.memory_space<vmem>> -> memref<128xi32, #tpu.memory_space<vmem>>
        %parallel_loop3A_18 = arith.constant 0 : i32
        %parallel_loop3A_19 = arith.constant 0 : i32
        %parallel_loop3A_20 = tpu.memref_slice %arg2[%parallel_loop3A_18, %parallel_loop3A_19] : memref<10000x128xf32, #tpu.memory_space<hbm>> -> memref<10000x128xf32, #tpu.memory_space<hbm>>
        tpu.wait_indirect_dma semaphore(%parallel_loop3A_8 : memref<!tpu.dma_semaphore, #tpu.memory_space<semaphore_mem>>) src(%parallel_loop3A_20 : memref<10000x128xf32, #tpu.memory_space<hbm>>) dst(%parallel_loop3A_7 : memref<128x128xf32, #tpu.memory_space<vmem>>)
        "tpu.region"() ({
          %parallel_loop3A_21 = tpu.sem_alloc : memref<!tpu.dma_semaphore, #tpu.memory_space<semaphore_mem>>
          %parallel_loop3A_22 = arith.constant 0 : i32
          %parallel_loop3A_23 = tpu.memref_slice %arg8[%parallel_loop3A_6, %parallel_loop3A_22] : memref<79x128xi32, #tpu.memory_space<vmem>> -> memref<1x128xi32, #tpu.memory_space<vmem>>
          %parallel_loop3A_24 = tpu.memref_squeeze %parallel_loop3A_23 : memref<1x128xi32, #tpu.memory_space<vmem>> -> memref<128xi32, #tpu.memory_space<vmem>>
          %parallel_loop3A_25 = arith.constant 0 : i32
          %parallel_loop3A_26 = arith.constant 0 : i32
          %parallel_loop3A_27 = tpu.memref_slice %arg9[%parallel_loop3A_25, %parallel_loop3A_26] : memref<10112x128xf32, #tpu.memory_space<vmem_shared>> -> memref<10112x128xf32, #tpu.memory_space<vmem_shared>>
          tpu.enqueue_indirect_dma source(%parallel_loop3A_7 : memref<128x128xf32, #tpu.memory_space<vmem>>) target(%parallel_loop3A_27 : memref<10112x128xf32, #tpu.memory_space<vmem_shared>>) offsets(%parallel_loop3A_24 : memref<128xi32, #tpu.memory_space<vmem>>) semaphore(%parallel_loop3A_21 : memref<!tpu.dma_semaphore, #tpu.memory_space<semaphore_mem>>) {add = true}
          %parallel_loop3A_28 = arith.constant 0 : i32
          %parallel_loop3A_29 = tpu.memref_slice %arg8[%parallel_loop3A_6, %parallel_loop3A_28] : memref<79x128xi32, #tpu.memory_space<vmem>> -> memref<1x128xi32, #tpu.memory_space<vmem>>
          %parallel_loop3A_30 = tpu.memref_squeeze %parallel_loop3A_29 : memref<1x128xi32, #tpu.memory_space<vmem>> -> memref<128xi32, #tpu.memory_space<vmem>>
          %parallel_loop3A_31 = arith.constant 0 : i32
          %parallel_loop3A_32 = arith.constant 0 : i32
          %parallel_loop3A_33 = tpu.memref_slice %arg9[%parallel_loop3A_31, %parallel_loop3A_32] : memref<10112x128xf32, #tpu.memory_space<vmem_shared>> -> memref<10112x128xf32, #tpu.memory_space<vmem_shared>>
          tpu.wait_indirect_dma semaphore(%parallel_loop3A_21 : memref<!tpu.dma_semaphore, #tpu.memory_space<semaphore_mem>>) src(%parallel_loop3A_7 : memref<128x128xf32, #tpu.memory_space<vmem>>) dst(%parallel_loop3A_33 : memref<10112x128xf32, #tpu.memory_space<vmem_shared>>)
          tpu.yield
        }) : () -> ()
        tpu.yield
      }) : () -> ()
    } {sc.loop_unroll_factor = 4 : i64, sc.parallel_access}
    %barrier3A_5 = arith.constant 0 : index
    tpu.barrier barrier_id(%barrier3A_5)
    "tpu.region"() ({
      %run_scoped3A = tpu.sem_alloc : memref<!tpu.dma_semaphore, #tpu.memory_space<semaphore_mem>>
      %dma_start3A = arith.constant 0 : i32
      %dma_start3A_6 = tpu.memref_slice %arg6[%arg0, %mul3A_2, %dma_start3A] : memref<2x10112x128xf32, #tpu.memory_space<hbm>> -> memref<1x632x128xf32, #tpu.memory_space<hbm>>
      %dma_start3A_7 = tpu.memref_squeeze %dma_start3A_6 : memref<1x632x128xf32, #tpu.memory_space<hbm>> -> memref<632x128xf32, #tpu.memory_space<hbm>>
      %dma_start3A_8 = arith.constant 0 : i32
      %dma_start3A_9 = tpu.memref_slice %arg9[%mul3A_2, %dma_start3A_8] : memref<10112x128xf32, #tpu.memory_space<vmem_shared>> -> memref<632x128xf32, #tpu.memory_space<vmem_shared>>
      tpu.enqueue_dma source(%dma_start3A_9 : memref<632x128xf32, #tpu.memory_space<vmem_shared>>) target(%dma_start3A_7 : memref<632x128xf32, #tpu.memory_space<hbm>>) target_semaphore(%run_scoped3A : memref<!tpu.dma_semaphore, #tpu.memory_space<semaphore_mem>>)
      %dma_wait3A = arith.constant 0 : i32
      %dma_wait3A_10 = tpu.memref_slice %arg6[%arg0, %mul3A_2, %dma_wait3A] : memref<2x10112x128xf32, #tpu.memory_space<hbm>> -> memref<1x632x128xf32, #tpu.memory_space<hbm>>
      %dma_wait3A_11 = tpu.memref_squeeze %dma_wait3A_10 : memref<1x632x128xf32, #tpu.memory_space<hbm>> -> memref<632x128xf32, #tpu.memory_space<hbm>>
      %dma_wait3A_12 = arith.constant 0 : i32
      %dma_wait3A_13 = tpu.memref_slice %arg9[%mul3A_2, %dma_wait3A_12] : memref<10112x128xf32, #tpu.memory_space<vmem_shared>> -> memref<632x128xf32, #tpu.memory_space<vmem_shared>>
      tpu.wait_dma2 semaphore(%run_scoped3A : memref<!tpu.dma_semaphore, #tpu.memory_space<semaphore_mem>>) src(%dma_wait3A_13 : memref<632x128xf32, #tpu.memory_space<vmem_shared>>) dst(%dma_wait3A_11 : memref<632x128xf32, #tpu.memory_space<hbm>>)
      tpu.yield
    }) : () -> ()
    return
  }
}

#map = affine_map<(d0, d1) -> (0, 0)>
#map1 = affine_map<(d0, d1) -> (0, 0, 0)>
module attributes {stable_mosaic.version = 14 : i64} {
  func.func @_segsum_body(%arg0: i32, %arg1: i32, %arg2: memref<10000x128xf32, #tpu.memory_space<hbm>>, %arg3: memref<32x79x128xi32, #tpu.memory_space<hbm>>, %arg4: memref<32x79x128xi32, #tpu.memory_space<hbm>>, %arg5: memref<632x128xf32, #tpu.memory_space<hbm>>, %arg6: memref<2x10112x128xf32, #tpu.memory_space<hbm>>, %arg7: memref<79x128xi32, #tpu.memory_space<vmem>>, %arg8: memref<79x128xi32, #tpu.memory_space<vmem>>, %arg9: memref<10112x128xf32, #tpu.memory_space<vmem_shared>>) attributes {dimension_semantics = [#tpu.dimension_semantics<core_parallel>, #tpu.dimension_semantics<subcore_parallel>], iteration_bounds = array<i64: 2, 16>, scalar_prefetch = 0 : i64, scratch_operands = 3 : i64, tpu.core_type = #tpu.core_type<sc_vector_subcore>, window_params = [{transform_indices = #map}, {transform_indices = #map1}, {transform_indices = #map1}, {transform_indices = #map}, {transform_indices = #map1}]} {
    %mul3A = arith.constant 2 : i32
    %mul3A_0 = arith.muli %arg1, %mul3A : i32
    %add3A = arith.addi %mul3A_0, %arg0 : i32
    %mul3A_1 = arith.constant 632 : i32
    %mul3A_2 = arith.muli %arg1, %mul3A_1 : i32
    "tpu.region"() ({
      %run_scoped3A = tpu.sem_alloc : memref<!tpu.dma_semaphore, #tpu.memory_space<semaphore_mem>>
      %dma_start3A = arith.constant 0 : i32
      %dma_start3A_6 = tpu.memref_slice %arg9[%mul3A_2, %dma_start3A] : memref<10112x128xf32, #tpu.memory_space<vmem_shared>> -> memref<632x128xf32, #tpu.memory_space<vmem_shared>>
      tpu.enqueue_dma source(%arg5 : memref<632x128xf32, #tpu.memory_space<hbm>>) target(%dma_start3A_6 : memref<632x128xf32, #tpu.memory_space<vmem_shared>>) target_semaphore(%run_scoped3A : memref<!tpu.dma_semaphore, #tpu.memory_space<semaphore_mem>>)
      %dma_wait3A = arith.constant 0 : i32
      %dma_wait3A_7 = tpu.memref_slice %arg9[%mul3A_2, %dma_wait3A] : memref<10112x128xf32, #tpu.memory_space<vmem_shared>> -> memref<632x128xf32, #tpu.memory_space<vmem_shared>>
      tpu.wait_dma2 semaphore(%run_scoped3A : memref<!tpu.dma_semaphore, #tpu.memory_space<semaphore_mem>>) src(%arg5 : memref<632x128xf32, #tpu.memory_space<hbm>>) dst(%dma_wait3A_7 : memref<632x128xf32, #tpu.memory_space<vmem_shared>>)
      tpu.yield
    }) : () -> ()
    "tpu.region"() ({
      %run_scoped3A = tpu.sem_alloc : memref<!tpu.dma_semaphore, #tpu.memory_space<semaphore_mem>>
      %dma_start3A = arith.constant 0 : i32
      %dma_start3A_6 = arith.constant 0 : i32
      %dma_start3A_7 = tpu.memref_slice %arg3[%add3A, %dma_start3A, %dma_start3A_6] : memref<32x79x128xi32, #tpu.memory_space<hbm>> -> memref<1x79x128xi32, #tpu.memory_space<hbm>>
      %dma_start3A_8 = tpu.memref_squeeze %dma_start3A_7 : memref<1x79x128xi32, #tpu.memory_space<hbm>> -> memref<79x128xi32, #tpu.memory_space<hbm>>
      %dma_start3A_9 = arith.constant 0 : i32
      %dma_start3A_10 = arith.constant 0 : i32
      %dma_start3A_11 = tpu.memref_slice %arg3[%add3A, %dma_start3A_9, %dma_start3A_10] : memref<32x79x128xi32, #tpu.memory_space<hbm>> -> memref<1x79x128xi32, #tpu.memory_space<hbm>>
      %dma_start3A_12 = tpu.memref_squeeze %dma_start3A_11 : memref<1x79x128xi32, #tpu.memory_space<hbm>> -> memref<79x128xi32, #tpu.memory_space<hbm>>
      tpu.enqueue_dma source(%dma_start3A_12 : memref<79x128xi32, #tpu.memory_space<hbm>>) target(%arg7 : memref<79x128xi32, #tpu.memory_space<vmem>>) target_semaphore(%run_scoped3A : memref<!tpu.dma_semaphore, #tpu.memory_space<semaphore_mem>>)
      %dma_wait3A = arith.constant 0 : i32
      %dma_wait3A_13 = arith.constant 0 : i32
      %dma_wait3A_14 = tpu.memref_slice %arg3[%add3A, %dma_wait3A, %dma_wait3A_13] : memref<32x79x128xi32, #tpu.memory_space<hbm>> -> memref<1x79x128xi32, #tpu.memory_space<hbm>>
      %dma_wait3A_15 = tpu.memref_squeeze %dma_wait3A_14 : memref<1x79x128xi32, #tpu.memory_space<hbm>> -> memref<79x128xi32, #tpu.memory_space<hbm>>
      %dma_wait3A_16 = arith.constant 0 : i32
      %dma_wait3A_17 = arith.constant 0 : i32
      %dma_wait3A_18 = tpu.memref_slice %arg3[%add3A, %dma_wait3A_16, %dma_wait3A_17] : memref<32x79x128xi32, #tpu.memory_space<hbm>> -> memref<1x79x128xi32, #tpu.memory_space<hbm>>
      %dma_wait3A_19 = tpu.memref_squeeze %dma_wait3A_18 : memref<1x79x128xi32, #tpu.memory_space<hbm>> -> memref<79x128xi32, #tpu.memory_space<hbm>>
      tpu.wait_dma2 semaphore(%run_scoped3A : memref<!tpu.dma_semaphore, #tpu.memory_space<semaphore_mem>>) src(%dma_wait3A_19 : memref<79x128xi32, #tpu.memory_space<hbm>>) dst(%arg7 : memref<79x128xi32, #tpu.memory_space<vmem>>)
      tpu.yield
    }) : () -> ()
    "tpu.region"() ({
      %run_scoped3A = tpu.sem_alloc : memref<!tpu.dma_semaphore, #tpu.memory_space<semaphore_mem>>
      %dma_start3A = arith.constant 0 : i32
      %dma_start3A_6 = arith.constant 0 : i32
      %dma_start3A_7 = tpu.memref_slice %arg4[%add3A, %dma_start3A, %dma_start3A_6] : memref<32x79x128xi32, #tpu.memory_space<hbm>> -> memref<1x79x128xi32, #tpu.memory_space<hbm>>
      %dma_start3A_8 = tpu.memref_squeeze %dma_start3A_7 : memref<1x79x128xi32, #tpu.memory_space<hbm>> -> memref<79x128xi32, #tpu.memory_space<hbm>>
      %dma_start3A_9 = arith.constant 0 : i32
      %dma_start3A_10 = arith.constant 0 : i32
      %dma_start3A_11 = tpu.memref_slice %arg4[%add3A, %dma_start3A_9, %dma_start3A_10] : memref<32x79x128xi32, #tpu.memory_space<hbm>> -> memref<1x79x128xi32, #tpu.memory_space<hbm>>
      %dma_start3A_12 = tpu.memref_squeeze %dma_start3A_11 : memref<1x79x128xi32, #tpu.memory_space<hbm>> -> memref<79x128xi32, #tpu.memory_space<hbm>>
      tpu.enqueue_dma source(%dma_start3A_12 : memref<79x128xi32, #tpu.memory_space<hbm>>) target(%arg8 : memref<79x128xi32, #tpu.memory_space<vmem>>) target_semaphore(%run_scoped3A : memref<!tpu.dma_semaphore, #tpu.memory_space<semaphore_mem>>)
      %dma_wait3A = arith.constant 0 : i32
      %dma_wait3A_13 = arith.constant 0 : i32
      %dma_wait3A_14 = tpu.memref_slice %arg4[%add3A, %dma_wait3A, %dma_wait3A_13] : memref<32x79x128xi32, #tpu.memory_space<hbm>> -> memref<1x79x128xi32, #tpu.memory_space<hbm>>
      %dma_wait3A_15 = tpu.memref_squeeze %dma_wait3A_14 : memref<1x79x128xi32, #tpu.memory_space<hbm>> -> memref<79x128xi32, #tpu.memory_space<hbm>>
      %dma_wait3A_16 = arith.constant 0 : i32
      %dma_wait3A_17 = arith.constant 0 : i32
      %dma_wait3A_18 = tpu.memref_slice %arg4[%add3A, %dma_wait3A_16, %dma_wait3A_17] : memref<32x79x128xi32, #tpu.memory_space<hbm>> -> memref<1x79x128xi32, #tpu.memory_space<hbm>>
      %dma_wait3A_19 = tpu.memref_squeeze %dma_wait3A_18 : memref<1x79x128xi32, #tpu.memory_space<hbm>> -> memref<79x128xi32, #tpu.memory_space<hbm>>
      tpu.wait_dma2 semaphore(%run_scoped3A : memref<!tpu.dma_semaphore, #tpu.memory_space<semaphore_mem>>) src(%dma_wait3A_19 : memref<79x128xi32, #tpu.memory_space<hbm>>) dst(%arg8 : memref<79x128xi32, #tpu.memory_space<vmem>>)
      tpu.yield
    }) : () -> ()
    %barrier3A = arith.constant 0 : index
    tpu.barrier barrier_id(%barrier3A)
    %parallel_loop3A = arith.constant 0 : i32
    %parallel_loop3A_3 = arith.constant 79 : i32
    %parallel_loop3A_4 = arith.constant 1 : i32
    scf.for %parallel_loop3A_6 = %parallel_loop3A to %parallel_loop3A_3 step %parallel_loop3A_4  : i32 {
      "tpu.region"() ({
        %parallel_loop3A_7 = memref.alloca() : memref<128x128xf32, #tpu.memory_space<vmem>>
        %parallel_loop3A_8 = tpu.sem_alloc : memref<!tpu.dma_semaphore, #tpu.memory_space<semaphore_mem>>
        %parallel_loop3A_9 = arith.constant 0 : i32
        %parallel_loop3A_10 = tpu.memref_slice %arg7[%parallel_loop3A_6, %parallel_loop3A_9] : memref<79x128xi32, #tpu.memory_space<vmem>> -> memref<1x128xi32, #tpu.memory_space<vmem>>
        %parallel_loop3A_11 = tpu.memref_squeeze %parallel_loop3A_10 : memref<1x128xi32, #tpu.memory_space<vmem>> -> memref<128xi32, #tpu.memory_space<vmem>>
        %parallel_loop3A_12 = arith.constant 0 : i32
        %parallel_loop3A_13 = arith.constant 0 : i32
        %parallel_loop3A_14 = tpu.memref_slice %arg2[%parallel_loop3A_12, %parallel_loop3A_13] : memref<10000x128xf32, #tpu.memory_space<hbm>> -> memref<10000x128xf32, #tpu.memory_space<hbm>>
        tpu.enqueue_indirect_dma source(%parallel_loop3A_14 : memref<10000x128xf32, #tpu.memory_space<hbm>>) target(%parallel_loop3A_7 : memref<128x128xf32, #tpu.memory_space<vmem>>) offsets(%parallel_loop3A_11 : memref<128xi32, #tpu.memory_space<vmem>>) semaphore(%parallel_loop3A_8 : memref<!tpu.dma_semaphore, #tpu.memory_space<semaphore_mem>>)
        %parallel_loop3A_15 = arith.constant 0 : i32
        %parallel_loop3A_16 = tpu.memref_slice %arg7[%parallel_loop3A_6, %parallel_loop3A_15] : memref<79x128xi32, #tpu.memory_space<vmem>> -> memref<1x128xi32, #tpu.memory_space<vmem>>
        %parallel_loop3A_17 = tpu.memref_squeeze %parallel_loop3A_16 : memref<1x128xi32, #tpu.memory_space<vmem>> -> memref<128xi32, #tpu.memory_space<vmem>>
        %parallel_loop3A_18 = arith.constant 0 : i32
        %parallel_loop3A_19 = arith.constant 0 : i32
        %parallel_loop3A_20 = tpu.memref_slice %arg2[%parallel_loop3A_18, %parallel_loop3A_19] : memref<10000x128xf32, #tpu.memory_space<hbm>> -> memref<10000x128xf32, #tpu.memory_space<hbm>>
        tpu.wait_indirect_dma semaphore(%parallel_loop3A_8 : memref<!tpu.dma_semaphore, #tpu.memory_space<semaphore_mem>>) src(%parallel_loop3A_20 : memref<10000x128xf32, #tpu.memory_space<hbm>>) dst(%parallel_loop3A_7 : memref<128x128xf32, #tpu.memory_space<vmem>>)
        "tpu.region"() ({
          %parallel_loop3A_21 = tpu.sem_alloc : memref<!tpu.dma_semaphore, #tpu.memory_space<semaphore_mem>>
          %parallel_loop3A_22 = arith.constant 0 : i32
          %parallel_loop3A_23 = tpu.memref_slice %arg8[%parallel_loop3A_6, %parallel_loop3A_22] : memref<79x128xi32, #tpu.memory_space<vmem>> -> memref<1x128xi32, #tpu.memory_space<vmem>>
          %parallel_loop3A_24 = tpu.memref_squeeze %parallel_loop3A_23 : memref<1x128xi32, #tpu.memory_space<vmem>> -> memref<128xi32, #tpu.memory_space<vmem>>
          %parallel_loop3A_25 = arith.constant 0 : i32
          %parallel_loop3A_26 = arith.constant 0 : i32
          %parallel_loop3A_27 = tpu.memref_slice %arg9[%parallel_loop3A_25, %parallel_loop3A_26] : memref<10112x128xf32, #tpu.memory_space<vmem_shared>> -> memref<10112x128xf32, #tpu.memory_space<vmem_shared>>
          tpu.enqueue_indirect_dma source(%parallel_loop3A_7 : memref<128x128xf32, #tpu.memory_space<vmem>>) target(%parallel_loop3A_27 : memref<10112x128xf32, #tpu.memory_space<vmem_shared>>) offsets(%parallel_loop3A_24 : memref<128xi32, #tpu.memory_space<vmem>>) semaphore(%parallel_loop3A_21 : memref<!tpu.dma_semaphore, #tpu.memory_space<semaphore_mem>>) {add = true}
          %parallel_loop3A_28 = arith.constant 0 : i32
          %parallel_loop3A_29 = tpu.memref_slice %arg8[%parallel_loop3A_6, %parallel_loop3A_28] : memref<79x128xi32, #tpu.memory_space<vmem>> -> memref<1x128xi32, #tpu.memory_space<vmem>>
          %parallel_loop3A_30 = tpu.memref_squeeze %parallel_loop3A_29 : memref<1x128xi32, #tpu.memory_space<vmem>> -> memref<128xi32, #tpu.memory_space<vmem>>
          %parallel_loop3A_31 = arith.constant 0 : i32
          %parallel_loop3A_32 = arith.constant 0 : i32
          %parallel_loop3A_33 = tpu.memref_slice %arg9[%parallel_loop3A_31, %parallel_loop3A_32] : memref<10112x128xf32, #tpu.memory_space<vmem_shared>> -> memref<10112x128xf32, #tpu.memory_space<vmem_shared>>
          tpu.wait_indirect_dma semaphore(%parallel_loop3A_21 : memref<!tpu.dma_semaphore, #tpu.memory_space<semaphore_mem>>) src(%parallel_loop3A_7 : memref<128x128xf32, #tpu.memory_space<vmem>>) dst(%parallel_loop3A_33 : memref<10112x128xf32, #tpu.memory_space<vmem_shared>>)
          tpu.yield
        }) : () -> ()
        tpu.yield
      }) : () -> ()
    } {sc.loop_unroll_factor = 4 : i64, sc.parallel_access}
    %barrier3A_5 = arith.constant 0 : index
    tpu.barrier barrier_id(%barrier3A_5)
    "tpu.region"() ({
      %run_scoped3A = tpu.sem_alloc : memref<!tpu.dma_semaphore, #tpu.memory_space<semaphore_mem>>
      %dma_start3A = arith.constant 0 : i32
      %dma_start3A_6 = tpu.memref_slice %arg6[%arg0, %mul3A_2, %dma_start3A] : memref<2x10112x128xf32, #tpu.memory_space<hbm>> -> memref<1x632x128xf32, #tpu.memory_space<hbm>>
      %dma_start3A_7 = tpu.memref_squeeze %dma_start3A_6 : memref<1x632x128xf32, #tpu.memory_space<hbm>> -> memref<632x128xf32, #tpu.memory_space<hbm>>
      %dma_start3A_8 = arith.constant 0 : i32
      %dma_start3A_9 = tpu.memref_slice %arg9[%mul3A_2, %dma_start3A_8] : memref<10112x128xf32, #tpu.memory_space<vmem_shared>> -> memref<632x128xf32, #tpu.memory_space<vmem_shared>>
      tpu.enqueue_dma source(%dma_start3A_9 : memref<632x128xf32, #tpu.memory_space<vmem_shared>>) target(%dma_start3A_7 : memref<632x128xf32, #tpu.memory_space<hbm>>) target_semaphore(%run_scoped3A : memref<!tpu.dma_semaphore, #tpu.memory_space<semaphore_mem>>)
      %dma_wait3A = arith.constant 0 : i32
      %dma_wait3A_10 = tpu.memref_slice %arg6[%arg0, %mul3A_2, %dma_wait3A] : memref<2x10112x128xf32, #tpu.memory_space<hbm>> -> memref<1x632x128xf32, #tpu.memory_space<hbm>>
      %dma_wait3A_11 = tpu.memref_squeeze %dma_wait3A_10 : memref<1x632x128xf32, #tpu.memory_space<hbm>> -> memref<632x128xf32, #tpu.memory_space<hbm>>
      %dma_wait3A_12 = arith.constant 0 : i32
      %dma_wait3A_13 = tpu.memref_slice %arg9[%mul3A_2, %dma_wait3A_12] : memref<10112x128xf32, #tpu.memory_space<vmem_shared>> -> memref<632x128xf32, #tpu.memory_space<vmem_shared>>
      tpu.wait_dma2 semaphore(%run_scoped3A : memref<!tpu.dma_semaphore, #tpu.memory_space<semaphore_mem>>) src(%dma_wait3A_13 : memref<632x128xf32, #tpu.memory_space<vmem_shared>>) dst(%dma_wait3A_11 : memref<632x128xf32, #tpu.memory_space<hbm>>)
      tpu.yield
    }) : () -> ()
    return
  }
}

#map = affine_map<(d0, d1) -> (0, 0, 0)>
#map1 = affine_map<(d0, d1) -> (0, 0)>
module attributes {stable_mosaic.version = 14 : i64} {
  func.func @_deg_body(%arg0: i32, %arg1: i32, %arg2: memref<32x79x128xi32, #tpu.memory_space<hbm>>, %arg3: memref<632x128xf32, #tpu.memory_space<hbm>>, %arg4: memref<128x128xf32, #tpu.memory_space<hbm>>, %arg5: memref<2x10112x128xf32, #tpu.memory_space<hbm>>, %arg6: memref<79x128xi32, #tpu.memory_space<vmem>>, %arg7: memref<128x128xf32, #tpu.memory_space<vmem>>, %arg8: memref<10112x128xf32, #tpu.memory_space<vmem_shared>>) attributes {dimension_semantics = [#tpu.dimension_semantics<core_parallel>, #tpu.dimension_semantics<subcore_parallel>], iteration_bounds = array<i64: 2, 16>, scalar_prefetch = 0 : i64, scratch_operands = 3 : i64, tpu.core_type = #tpu.core_type<sc_vector_subcore>, window_params = [{transform_indices = #map}, {transform_indices = #map1}, {transform_indices = #map1}, {transform_indices = #map}]} {
    %mul3A = arith.constant 2 : i32
    %mul3A_0 = arith.muli %arg1, %mul3A : i32
    %add3A = arith.addi %mul3A_0, %arg0 : i32
    %mul3A_1 = arith.constant 632 : i32
    %mul3A_2 = arith.muli %arg1, %mul3A_1 : i32
    "tpu.region"() ({
      %run_scoped3A = tpu.sem_alloc : memref<!tpu.dma_semaphore, #tpu.memory_space<semaphore_mem>>
      %dma_start3A = arith.constant 0 : i32
      %dma_start3A_9 = tpu.memref_slice %arg8[%mul3A_2, %dma_start3A] : memref<10112x128xf32, #tpu.memory_space<vmem_shared>> -> memref<632x128xf32, #tpu.memory_space<vmem_shared>>
      tpu.enqueue_dma source(%arg3 : memref<632x128xf32, #tpu.memory_space<hbm>>) target(%dma_start3A_9 : memref<632x128xf32, #tpu.memory_space<vmem_shared>>) target_semaphore(%run_scoped3A : memref<!tpu.dma_semaphore, #tpu.memory_space<semaphore_mem>>)
      %dma_wait3A = arith.constant 0 : i32
      %dma_wait3A_10 = tpu.memref_slice %arg8[%mul3A_2, %dma_wait3A] : memref<10112x128xf32, #tpu.memory_space<vmem_shared>> -> memref<632x128xf32, #tpu.memory_space<vmem_shared>>
      tpu.wait_dma2 semaphore(%run_scoped3A : memref<!tpu.dma_semaphore, #tpu.memory_space<semaphore_mem>>) src(%arg3 : memref<632x128xf32, #tpu.memory_space<hbm>>) dst(%dma_wait3A_10 : memref<632x128xf32, #tpu.memory_space<vmem_shared>>)
      tpu.yield
    }) : () -> ()
    "tpu.region"() ({
      %run_scoped3A = tpu.sem_alloc : memref<!tpu.dma_semaphore, #tpu.memory_space<semaphore_mem>>
      tpu.enqueue_dma source(%arg4 : memref<128x128xf32, #tpu.memory_space<hbm>>) target(%arg7 : memref<128x128xf32, #tpu.memory_space<vmem>>) target_semaphore(%run_scoped3A : memref<!tpu.dma_semaphore, #tpu.memory_space<semaphore_mem>>)
      tpu.wait_dma2 semaphore(%run_scoped3A : memref<!tpu.dma_semaphore, #tpu.memory_space<semaphore_mem>>) src(%arg4 : memref<128x128xf32, #tpu.memory_space<hbm>>) dst(%arg7 : memref<128x128xf32, #tpu.memory_space<vmem>>)
      tpu.yield
    }) : () -> ()
    "tpu.region"() ({
      %run_scoped3A = tpu.sem_alloc : memref<!tpu.dma_semaphore, #tpu.memory_space<semaphore_mem>>
      %dma_start3A = arith.constant 0 : i32
      %dma_start3A_9 = arith.constant 0 : i32
      %dma_start3A_10 = tpu.memref_slice %arg2[%add3A, %dma_start3A, %dma_start3A_9] : memref<32x79x128xi32, #tpu.memory_space<hbm>> -> memref<1x79x128xi32, #tpu.memory_space<hbm>>
      %dma_start3A_11 = tpu.memref_squeeze %dma_start3A_10 : memref<1x79x128xi32, #tpu.memory_space<hbm>> -> memref<79x128xi32, #tpu.memory_space<hbm>>
      %dma_start3A_12 = arith.constant 0 : i32
      %dma_start3A_13 = arith.constant 0 : i32
      %dma_start3A_14 = tpu.memref_slice %arg2[%add3A, %dma_start3A_12, %dma_start3A_13] : memref<32x79x128xi32, #tpu.memory_space<hbm>> -> memref<1x79x128xi32, #tpu.memory_space<hbm>>
      %dma_start3A_15 = tpu.memref_squeeze %dma_start3A_14 : memref<1x79x128xi32, #tpu.memory_space<hbm>> -> memref<79x128xi32, #tpu.memory_space<hbm>>
      tpu.enqueue_dma source(%dma_start3A_15 : memref<79x128xi32, #tpu.memory_space<hbm>>) target(%arg6 : memref<79x128xi32, #tpu.memory_space<vmem>>) target_semaphore(%run_scoped3A : memref<!tpu.dma_semaphore, #tpu.memory_space<semaphore_mem>>)
      %dma_wait3A = arith.constant 0 : i32
      %dma_wait3A_16 = arith.constant 0 : i32
      %dma_wait3A_17 = tpu.memref_slice %arg2[%add3A, %dma_wait3A, %dma_wait3A_16] : memref<32x79x128xi32, #tpu.memory_space<hbm>> -> memref<1x79x128xi32, #tpu.memory_space<hbm>>
      %dma_wait3A_18 = tpu.memref_squeeze %dma_wait3A_17 : memref<1x79x128xi32, #tpu.memory_space<hbm>> -> memref<79x128xi32, #tpu.memory_space<hbm>>
      %dma_wait3A_19 = arith.constant 0 : i32
      %dma_wait3A_20 = arith.constant 0 : i32
      %dma_wait3A_21 = tpu.memref_slice %arg2[%add3A, %dma_wait3A_19, %dma_wait3A_20] : memref<32x79x128xi32, #tpu.memory_space<hbm>> -> memref<1x79x128xi32, #tpu.memory_space<hbm>>
      %dma_wait3A_22 = tpu.memref_squeeze %dma_wait3A_21 : memref<1x79x128xi32, #tpu.memory_space<hbm>> -> memref<79x128xi32, #tpu.memory_space<hbm>>
      tpu.wait_dma2 semaphore(%run_scoped3A : memref<!tpu.dma_semaphore, #tpu.memory_space<semaphore_mem>>) src(%dma_wait3A_22 : memref<79x128xi32, #tpu.memory_space<hbm>>) dst(%arg6 : memref<79x128xi32, #tpu.memory_space<vmem>>)
      tpu.yield
    }) : () -> ()
    %barrier3A = arith.constant 0 : index
    tpu.barrier barrier_id(%barrier3A)
    %scan3A = arith.constant 0 : i32
    %scan3A_3 = arith.constant 0 : i32
    %scan3A_4 = arith.constant 79 : i32
    %scan3A_5 = arith.addi %scan3A_3, %scan3A_4 : i32
    %scan3A_6 = arith.constant 1 : i32
    scf.for %scan3A_9 = %scan3A_3 to %scan3A_5 step %scan3A_6  : i32 {
      "tpu.region"() ({
        %run_scoped3A = tpu.sem_alloc : memref<!tpu.dma_semaphore, #tpu.memory_space<semaphore_mem>>
        %dma_start3A = arith.constant 0 : i32
        %dma_start3A_10 = tpu.memref_slice %arg6[%scan3A_9, %dma_start3A] : memref<79x128xi32, #tpu.memory_space<vmem>> -> memref<1x128xi32, #tpu.memory_space<vmem>>
        %dma_start3A_11 = tpu.memref_squeeze %dma_start3A_10 : memref<1x128xi32, #tpu.memory_space<vmem>> -> memref<128xi32, #tpu.memory_space<vmem>>
        %dma_start3A_12 = arith.constant 0 : i32
        %dma_start3A_13 = arith.constant 0 : i32
        %dma_start3A_14 = tpu.memref_slice %arg8[%dma_start3A_12, %dma_start3A_13] : memref<10112x128xf32, #tpu.memory_space<vmem_shared>> -> memref<10112x128xf32, #tpu.memory_space<vmem_shared>>
        tpu.enqueue_indirect_dma source(%arg7 : memref<128x128xf32, #tpu.memory_space<vmem>>) target(%dma_start3A_14 : memref<10112x128xf32, #tpu.memory_space<vmem_shared>>) offsets(%dma_start3A_11 : memref<128xi32, #tpu.memory_space<vmem>>) semaphore(%run_scoped3A : memref<!tpu.dma_semaphore, #tpu.memory_space<semaphore_mem>>) {add = true}
        %dma_wait3A = arith.constant 0 : i32
        %dma_wait3A_15 = tpu.memref_slice %arg6[%scan3A_9, %dma_wait3A] : memref<79x128xi32, #tpu.memory_space<vmem>> -> memref<1x128xi32, #tpu.memory_space<vmem>>
        %dma_wait3A_16 = tpu.memref_squeeze %dma_wait3A_15 : memref<1x128xi32, #tpu.memory_space<vmem>> -> memref<128xi32, #tpu.memory_space<vmem>>
        %dma_wait3A_17 = arith.constant 0 : i32
        %dma_wait3A_18 = arith.constant 0 : i32
        %dma_wait3A_19 = tpu.memref_slice %arg8[%dma_wait3A_17, %dma_wait3A_18] : memref<10112x128xf32, #tpu.memory_space<vmem_shared>> -> memref<10112x128xf32, #tpu.memory_space<vmem_shared>>
        tpu.wait_indirect_dma semaphore(%run_scoped3A : memref<!tpu.dma_semaphore, #tpu.memory_space<semaphore_mem>>) src(%arg7 : memref<128x128xf32, #tpu.memory_space<vmem>>) dst(%dma_wait3A_19 : memref<10112x128xf32, #tpu.memory_space<vmem_shared>>)
        tpu.yield
      }) : () -> ()
    }
    %scan3A_7 = arith.constant 79 : i32
    %barrier3A_8 = arith.constant 0 : index
    tpu.barrier barrier_id(%barrier3A_8)
    "tpu.region"() ({
      %run_scoped3A = tpu.sem_alloc : memref<!tpu.dma_semaphore, #tpu.memory_space<semaphore_mem>>
      %dma_start3A = arith.constant 0 : i32
      %dma_start3A_9 = tpu.memref_slice %arg5[%arg0, %mul3A_2, %dma_start3A] : memref<2x10112x128xf32, #tpu.memory_space<hbm>> -> memref<1x632x128xf32, #tpu.memory_space<hbm>>
      %dma_start3A_10 = tpu.memref_squeeze %dma_start3A_9 : memref<1x632x128xf32, #tpu.memory_space<hbm>> -> memref<632x128xf32, #tpu.memory_space<hbm>>
      %dma_start3A_11 = arith.constant 0 : i32
      %dma_start3A_12 = tpu.memref_slice %arg8[%mul3A_2, %dma_start3A_11] : memref<10112x128xf32, #tpu.memory_space<vmem_shared>> -> memref<632x128xf32, #tpu.memory_space<vmem_shared>>
      tpu.enqueue_dma source(%dma_start3A_12 : memref<632x128xf32, #tpu.memory_space<vmem_shared>>) target(%dma_start3A_10 : memref<632x128xf32, #tpu.memory_space<hbm>>) target_semaphore(%run_scoped3A : memref<!tpu.dma_semaphore, #tpu.memory_space<semaphore_mem>>)
      %dma_wait3A = arith.constant 0 : i32
      %dma_wait3A_13 = tpu.memref_slice %arg5[%arg0, %mul3A_2, %dma_wait3A] : memref<2x10112x128xf32, #tpu.memory_space<hbm>> -> memref<1x632x128xf32, #tpu.memory_space<hbm>>
      %dma_wait3A_14 = tpu.memref_squeeze %dma_wait3A_13 : memref<1x632x128xf32, #tpu.memory_space<hbm>> -> memref<632x128xf32, #tpu.memory_space<hbm>>
      %dma_wait3A_15 = arith.constant 0 : i32
      %dma_wait3A_16 = tpu.memref_slice %arg8[%mul3A_2, %dma_wait3A_15] : memref<10112x128xf32, #tpu.memory_space<vmem_shared>> -> memref<632x128xf32, #tpu.memory_space<vmem_shared>>
      tpu.wait_dma2 semaphore(%run_scoped3A : memref<!tpu.dma_semaphore, #tpu.memory_space<semaphore_mem>>) src(%dma_wait3A_16 : memref<632x128xf32, #tpu.memory_space<vmem_shared>>) dst(%dma_wait3A_14 : memref<632x128xf32, #tpu.memory_space<hbm>>)
      tpu.yield
    }) : () -> ()
    return
  }
}

#map = affine_map<(d0, d1) -> (0, 0)>
#map1 = affine_map<(d0, d1) -> (0, 0, 0)>
module attributes {stable_mosaic.version = 14 : i64} {
  func.func @_segsum_body(%arg0: i32, %arg1: i32, %arg2: memref<10000x128xf32, #tpu.memory_space<hbm>>, %arg3: memref<32x79x128xi32, #tpu.memory_space<hbm>>, %arg4: memref<32x79x128xi32, #tpu.memory_space<hbm>>, %arg5: memref<632x128xf32, #tpu.memory_space<hbm>>, %arg6: memref<2x10112x128xf32, #tpu.memory_space<hbm>>, %arg7: memref<79x128xi32, #tpu.memory_space<vmem>>, %arg8: memref<79x128xi32, #tpu.memory_space<vmem>>, %arg9: memref<10112x128xf32, #tpu.memory_space<vmem_shared>>) attributes {dimension_semantics = [#tpu.dimension_semantics<core_parallel>, #tpu.dimension_semantics<subcore_parallel>], iteration_bounds = array<i64: 2, 16>, scalar_prefetch = 0 : i64, scratch_operands = 3 : i64, tpu.core_type = #tpu.core_type<sc_vector_subcore>, window_params = [{transform_indices = #map}, {transform_indices = #map1}, {transform_indices = #map1}, {transform_indices = #map}, {transform_indices = #map1}]} {
    %mul3A = arith.constant 2 : i32
    %mul3A_0 = arith.muli %arg1, %mul3A : i32
    %add3A = arith.addi %mul3A_0, %arg0 : i32
    %mul3A_1 = arith.constant 632 : i32
    %mul3A_2 = arith.muli %arg1, %mul3A_1 : i32
    "tpu.region"() ({
      %run_scoped3A = tpu.sem_alloc : memref<!tpu.dma_semaphore, #tpu.memory_space<semaphore_mem>>
      %dma_start3A = arith.constant 0 : i32
      %dma_start3A_6 = tpu.memref_slice %arg9[%mul3A_2, %dma_start3A] : memref<10112x128xf32, #tpu.memory_space<vmem_shared>> -> memref<632x128xf32, #tpu.memory_space<vmem_shared>>
      tpu.enqueue_dma source(%arg5 : memref<632x128xf32, #tpu.memory_space<hbm>>) target(%dma_start3A_6 : memref<632x128xf32, #tpu.memory_space<vmem_shared>>) target_semaphore(%run_scoped3A : memref<!tpu.dma_semaphore, #tpu.memory_space<semaphore_mem>>)
      %dma_wait3A = arith.constant 0 : i32
      %dma_wait3A_7 = tpu.memref_slice %arg9[%mul3A_2, %dma_wait3A] : memref<10112x128xf32, #tpu.memory_space<vmem_shared>> -> memref<632x128xf32, #tpu.memory_space<vmem_shared>>
      tpu.wait_dma2 semaphore(%run_scoped3A : memref<!tpu.dma_semaphore, #tpu.memory_space<semaphore_mem>>) src(%arg5 : memref<632x128xf32, #tpu.memory_space<hbm>>) dst(%dma_wait3A_7 : memref<632x128xf32, #tpu.memory_space<vmem_shared>>)
      tpu.yield
    }) : () -> ()
    "tpu.region"() ({
      %run_scoped3A = tpu.sem_alloc : memref<!tpu.dma_semaphore, #tpu.memory_space<semaphore_mem>>
      %dma_start3A = arith.constant 0 : i32
      %dma_start3A_6 = arith.constant 0 : i32
      %dma_start3A_7 = tpu.memref_slice %arg3[%add3A, %dma_start3A, %dma_start3A_6] : memref<32x79x128xi32, #tpu.memory_space<hbm>> -> memref<1x79x128xi32, #tpu.memory_space<hbm>>
      %dma_start3A_8 = tpu.memref_squeeze %dma_start3A_7 : memref<1x79x128xi32, #tpu.memory_space<hbm>> -> memref<79x128xi32, #tpu.memory_space<hbm>>
      %dma_start3A_9 = arith.constant 0 : i32
      %dma_start3A_10 = arith.constant 0 : i32
      %dma_start3A_11 = tpu.memref_slice %arg3[%add3A, %dma_start3A_9, %dma_start3A_10] : memref<32x79x128xi32, #tpu.memory_space<hbm>> -> memref<1x79x128xi32, #tpu.memory_space<hbm>>
      %dma_start3A_12 = tpu.memref_squeeze %dma_start3A_11 : memref<1x79x128xi32, #tpu.memory_space<hbm>> -> memref<79x128xi32, #tpu.memory_space<hbm>>
      tpu.enqueue_dma source(%dma_start3A_12 : memref<79x128xi32, #tpu.memory_space<hbm>>) target(%arg7 : memref<79x128xi32, #tpu.memory_space<vmem>>) target_semaphore(%run_scoped3A : memref<!tpu.dma_semaphore, #tpu.memory_space<semaphore_mem>>)
      %dma_wait3A = arith.constant 0 : i32
      %dma_wait3A_13 = arith.constant 0 : i32
      %dma_wait3A_14 = tpu.memref_slice %arg3[%add3A, %dma_wait3A, %dma_wait3A_13] : memref<32x79x128xi32, #tpu.memory_space<hbm>> -> memref<1x79x128xi32, #tpu.memory_space<hbm>>
      %dma_wait3A_15 = tpu.memref_squeeze %dma_wait3A_14 : memref<1x79x128xi32, #tpu.memory_space<hbm>> -> memref<79x128xi32, #tpu.memory_space<hbm>>
      %dma_wait3A_16 = arith.constant 0 : i32
      %dma_wait3A_17 = arith.constant 0 : i32
      %dma_wait3A_18 = tpu.memref_slice %arg3[%add3A, %dma_wait3A_16, %dma_wait3A_17] : memref<32x79x128xi32, #tpu.memory_space<hbm>> -> memref<1x79x128xi32, #tpu.memory_space<hbm>>
      %dma_wait3A_19 = tpu.memref_squeeze %dma_wait3A_18 : memref<1x79x128xi32, #tpu.memory_space<hbm>> -> memref<79x128xi32, #tpu.memory_space<hbm>>
      tpu.wait_dma2 semaphore(%run_scoped3A : memref<!tpu.dma_semaphore, #tpu.memory_space<semaphore_mem>>) src(%dma_wait3A_19 : memref<79x128xi32, #tpu.memory_space<hbm>>) dst(%arg7 : memref<79x128xi32, #tpu.memory_space<vmem>>)
      tpu.yield
    }) : () -> ()
    "tpu.region"() ({
      %run_scoped3A = tpu.sem_alloc : memref<!tpu.dma_semaphore, #tpu.memory_space<semaphore_mem>>
      %dma_start3A = arith.constant 0 : i32
      %dma_start3A_6 = arith.constant 0 : i32
      %dma_start3A_7 = tpu.memref_slice %arg4[%add3A, %dma_start3A, %dma_start3A_6] : memref<32x79x128xi32, #tpu.memory_space<hbm>> -> memref<1x79x128xi32, #tpu.memory_space<hbm>>
      %dma_start3A_8 = tpu.memref_squeeze %dma_start3A_7 : memref<1x79x128xi32, #tpu.memory_space<hbm>> -> memref<79x128xi32, #tpu.memory_space<hbm>>
      %dma_start3A_9 = arith.constant 0 : i32
      %dma_start3A_10 = arith.constant 0 : i32
      %dma_start3A_11 = tpu.memref_slice %arg4[%add3A, %dma_start3A_9, %dma_start3A_10] : memref<32x79x128xi32, #tpu.memory_space<hbm>> -> memref<1x79x128xi32, #tpu.memory_space<hbm>>
      %dma_start3A_12 = tpu.memref_squeeze %dma_start3A_11 : memref<1x79x128xi32, #tpu.memory_space<hbm>> -> memref<79x128xi32, #tpu.memory_space<hbm>>
      tpu.enqueue_dma source(%dma_start3A_12 : memref<79x128xi32, #tpu.memory_space<hbm>>) target(%arg8 : memref<79x128xi32, #tpu.memory_space<vmem>>) target_semaphore(%run_scoped3A : memref<!tpu.dma_semaphore, #tpu.memory_space<semaphore_mem>>)
      %dma_wait3A = arith.constant 0 : i32
      %dma_wait3A_13 = arith.constant 0 : i32
      %dma_wait3A_14 = tpu.memref_slice %arg4[%add3A, %dma_wait3A, %dma_wait3A_13] : memref<32x79x128xi32, #tpu.memory_space<hbm>> -> memref<1x79x128xi32, #tpu.memory_space<hbm>>
      %dma_wait3A_15 = tpu.memref_squeeze %dma_wait3A_14 : memref<1x79x128xi32, #tpu.memory_space<hbm>> -> memref<79x128xi32, #tpu.memory_space<hbm>>
      %dma_wait3A_16 = arith.constant 0 : i32
      %dma_wait3A_17 = arith.constant 0 : i32
      %dma_wait3A_18 = tpu.memref_slice %arg4[%add3A, %dma_wait3A_16, %dma_wait3A_17] : memref<32x79x128xi32, #tpu.memory_space<hbm>> -> memref<1x79x128xi32, #tpu.memory_space<hbm>>
      %dma_wait3A_19 = tpu.memref_squeeze %dma_wait3A_18 : memref<1x79x128xi32, #tpu.memory_space<hbm>> -> memref<79x128xi32, #tpu.memory_space<hbm>>
      tpu.wait_dma2 semaphore(%run_scoped3A : memref<!tpu.dma_semaphore, #tpu.memory_space<semaphore_mem>>) src(%dma_wait3A_19 : memref<79x128xi32, #tpu.memory_space<hbm>>) dst(%arg8 : memref<79x128xi32, #tpu.memory_space<vmem>>)
      tpu.yield
    }) : () -> ()
    %barrier3A = arith.constant 0 : index
    tpu.barrier barrier_id(%barrier3A)
    %parallel_loop3A = arith.constant 0 : i32
    %parallel_loop3A_3 = arith.constant 79 : i32
    %parallel_loop3A_4 = arith.constant 1 : i32
    scf.for %parallel_loop3A_6 = %parallel_loop3A to %parallel_loop3A_3 step %parallel_loop3A_4  : i32 {
      "tpu.region"() ({
        %parallel_loop3A_7 = memref.alloca() : memref<128x128xf32, #tpu.memory_space<vmem>>
        %parallel_loop3A_8 = tpu.sem_alloc : memref<!tpu.dma_semaphore, #tpu.memory_space<semaphore_mem>>
        %parallel_loop3A_9 = arith.constant 0 : i32
        %parallel_loop3A_10 = tpu.memref_slice %arg7[%parallel_loop3A_6, %parallel_loop3A_9] : memref<79x128xi32, #tpu.memory_space<vmem>> -> memref<1x128xi32, #tpu.memory_space<vmem>>
        %parallel_loop3A_11 = tpu.memref_squeeze %parallel_loop3A_10 : memref<1x128xi32, #tpu.memory_space<vmem>> -> memref<128xi32, #tpu.memory_space<vmem>>
        %parallel_loop3A_12 = arith.constant 0 : i32
        %parallel_loop3A_13 = arith.constant 0 : i32
        %parallel_loop3A_14 = tpu.memref_slice %arg2[%parallel_loop3A_12, %parallel_loop3A_13] : memref<10000x128xf32, #tpu.memory_space<hbm>> -> memref<10000x128xf32, #tpu.memory_space<hbm>>
        tpu.enqueue_indirect_dma source(%parallel_loop3A_14 : memref<10000x128xf32, #tpu.memory_space<hbm>>) target(%parallel_loop3A_7 : memref<128x128xf32, #tpu.memory_space<vmem>>) offsets(%parallel_loop3A_11 : memref<128xi32, #tpu.memory_space<vmem>>) semaphore(%parallel_loop3A_8 : memref<!tpu.dma_semaphore, #tpu.memory_space<semaphore_mem>>)
        %parallel_loop3A_15 = arith.constant 0 : i32
        %parallel_loop3A_16 = tpu.memref_slice %arg7[%parallel_loop3A_6, %parallel_loop3A_15] : memref<79x128xi32, #tpu.memory_space<vmem>> -> memref<1x128xi32, #tpu.memory_space<vmem>>
        %parallel_loop3A_17 = tpu.memref_squeeze %parallel_loop3A_16 : memref<1x128xi32, #tpu.memory_space<vmem>> -> memref<128xi32, #tpu.memory_space<vmem>>
        %parallel_loop3A_18 = arith.constant 0 : i32
        %parallel_loop3A_19 = arith.constant 0 : i32
        %parallel_loop3A_20 = tpu.memref_slice %arg2[%parallel_loop3A_18, %parallel_loop3A_19] : memref<10000x128xf32, #tpu.memory_space<hbm>> -> memref<10000x128xf32, #tpu.memory_space<hbm>>
        tpu.wait_indirect_dma semaphore(%parallel_loop3A_8 : memref<!tpu.dma_semaphore, #tpu.memory_space<semaphore_mem>>) src(%parallel_loop3A_20 : memref<10000x128xf32, #tpu.memory_space<hbm>>) dst(%parallel_loop3A_7 : memref<128x128xf32, #tpu.memory_space<vmem>>)
        "tpu.region"() ({
          %parallel_loop3A_21 = tpu.sem_alloc : memref<!tpu.dma_semaphore, #tpu.memory_space<semaphore_mem>>
          %parallel_loop3A_22 = arith.constant 0 : i32
          %parallel_loop3A_23 = tpu.memref_slice %arg8[%parallel_loop3A_6, %parallel_loop3A_22] : memref<79x128xi32, #tpu.memory_space<vmem>> -> memref<1x128xi32, #tpu.memory_space<vmem>>
          %parallel_loop3A_24 = tpu.memref_squeeze %parallel_loop3A_23 : memref<1x128xi32, #tpu.memory_space<vmem>> -> memref<128xi32, #tpu.memory_space<vmem>>
          %parallel_loop3A_25 = arith.constant 0 : i32
          %parallel_loop3A_26 = arith.constant 0 : i32
          %parallel_loop3A_27 = tpu.memref_slice %arg9[%parallel_loop3A_25, %parallel_loop3A_26] : memref<10112x128xf32, #tpu.memory_space<vmem_shared>> -> memref<10112x128xf32, #tpu.memory_space<vmem_shared>>
          tpu.enqueue_indirect_dma source(%parallel_loop3A_7 : memref<128x128xf32, #tpu.memory_space<vmem>>) target(%parallel_loop3A_27 : memref<10112x128xf32, #tpu.memory_space<vmem_shared>>) offsets(%parallel_loop3A_24 : memref<128xi32, #tpu.memory_space<vmem>>) semaphore(%parallel_loop3A_21 : memref<!tpu.dma_semaphore, #tpu.memory_space<semaphore_mem>>) {add = true}
          %parallel_loop3A_28 = arith.constant 0 : i32
          %parallel_loop3A_29 = tpu.memref_slice %arg8[%parallel_loop3A_6, %parallel_loop3A_28] : memref<79x128xi32, #tpu.memory_space<vmem>> -> memref<1x128xi32, #tpu.memory_space<vmem>>
          %parallel_loop3A_30 = tpu.memref_squeeze %parallel_loop3A_29 : memref<1x128xi32, #tpu.memory_space<vmem>> -> memref<128xi32, #tpu.memory_space<vmem>>
          %parallel_loop3A_31 = arith.constant 0 : i32
          %parallel_loop3A_32 = arith.constant 0 : i32
          %parallel_loop3A_33 = tpu.memref_slice %arg9[%parallel_loop3A_31, %parallel_loop3A_32] : memref<10112x128xf32, #tpu.memory_space<vmem_shared>> -> memref<10112x128xf32, #tpu.memory_space<vmem_shared>>
          tpu.wait_indirect_dma semaphore(%parallel_loop3A_21 : memref<!tpu.dma_semaphore, #tpu.memory_space<semaphore_mem>>) src(%parallel_loop3A_7 : memref<128x128xf32, #tpu.memory_space<vmem>>) dst(%parallel_loop3A_33 : memref<10112x128xf32, #tpu.memory_space<vmem_shared>>)
          tpu.yield
        }) : () -> ()
        tpu.yield
      }) : () -> ()
    } {sc.loop_unroll_factor = 4 : i64, sc.parallel_access}
    %barrier3A_5 = arith.constant 0 : index
    tpu.barrier barrier_id(%barrier3A_5)
    "tpu.region"() ({
      %run_scoped3A = tpu.sem_alloc : memref<!tpu.dma_semaphore, #tpu.memory_space<semaphore_mem>>
      %dma_start3A = arith.constant 0 : i32
      %dma_start3A_6 = tpu.memref_slice %arg6[%arg0, %mul3A_2, %dma_start3A] : memref<2x10112x128xf32, #tpu.memory_space<hbm>> -> memref<1x632x128xf32, #tpu.memory_space<hbm>>
      %dma_start3A_7 = tpu.memref_squeeze %dma_start3A_6 : memref<1x632x128xf32, #tpu.memory_space<hbm>> -> memref<632x128xf32, #tpu.memory_space<hbm>>
      %dma_start3A_8 = arith.constant 0 : i32
      %dma_start3A_9 = tpu.memref_slice %arg9[%mul3A_2, %dma_start3A_8] : memref<10112x128xf32, #tpu.memory_space<vmem_shared>> -> memref<632x128xf32, #tpu.memory_space<vmem_shared>>
      tpu.enqueue_dma source(%dma_start3A_9 : memref<632x128xf32, #tpu.memory_space<vmem_shared>>) target(%dma_start3A_7 : memref<632x128xf32, #tpu.memory_space<hbm>>) target_semaphore(%run_scoped3A : memref<!tpu.dma_semaphore, #tpu.memory_space<semaphore_mem>>)
      %dma_wait3A = arith.constant 0 : i32
      %dma_wait3A_10 = tpu.memref_slice %arg6[%arg0, %mul3A_2, %dma_wait3A] : memref<2x10112x128xf32, #tpu.memory_space<hbm>> -> memref<1x632x128xf32, #tpu.memory_space<hbm>>
      %dma_wait3A_11 = tpu.memref_squeeze %dma_wait3A_10 : memref<1x632x128xf32, #tpu.memory_space<hbm>> -> memref<632x128xf32, #tpu.memory_space<hbm>>
      %dma_wait3A_12 = arith.constant 0 : i32
      %dma_wait3A_13 = tpu.memref_slice %arg9[%mul3A_2, %dma_wait3A_12] : memref<10112x128xf32, #tpu.memory_space<vmem_shared>> -> memref<632x128xf32, #tpu.memory_space<vmem_shared>>
      tpu.wait_dma2 semaphore(%run_scoped3A : memref<!tpu.dma_semaphore, #tpu.memory_space<semaphore_mem>>) src(%dma_wait3A_13 : memref<632x128xf32, #tpu.memory_space<vmem_shared>>) dst(%dma_wait3A_11 : memref<632x128xf32, #tpu.memory_space<hbm>>)
      tpu.yield
    }) : () -> ()
    return
  }
}

module attributes {stable_mosaic.version = 14 : i64} {
  func.func @_tc_layer_body(%arg0: memref<10000x128xf32, #tpu.memory_space<vmem>>, %arg1: memref<2x10112x128xf32, #tpu.memory_space<vmem>>, %arg2: memref<10000x1xf32, #tpu.memory_space<vmem>>, %arg3: memref<128x128xf32, #tpu.memory_space<vmem>>, %arg4: memref<128xf32, #tpu.memory_space<vmem>>, %arg5: memref<128x128xf32, #tpu.memory_space<vmem>>, %arg6: memref<128xf32, #tpu.memory_space<vmem>>, %arg7: memref<128xf32, #tpu.memory_space<vmem>>, %arg8: memref<128xf32, #tpu.memory_space<vmem>>, %arg9: memref<10000x128xf32, #tpu.memory_space<vmem>>) attributes {dimension_semantics = [], scalar_prefetch = 0 : i64, scratch_operands = 0 : i64, tpu.core_type = #tpu.core_type<tc>} {
    %get3A = arith.constant 0 : index
    %get3A_0 = arith.constant 0 : index
    %get3A_1 = vector.load %arg0[%get3A, %get3A_0] : memref<10000x128xf32, #tpu.memory_space<vmem>>, vector<10000x128xf32>
    %get3A_2 = arith.constant 0 : index
    %get3A_3 = arith.constant 0 : index
    %get3A_4 = arith.constant 0 : index
    %get3A_5 = vector.load %arg1[%get3A_2, %get3A_3, %get3A_4] : memref<2x10112x128xf32, #tpu.memory_space<vmem>>, vector<1x10000x128xf32>
    %get3A_6 = vector.shape_cast %get3A_5 : vector<1x10000x128xf32> to vector<10000x128xf32>
    %get3A_7 = arith.constant 1 : index
    %get3A_8 = arith.constant 0 : index
    %get3A_9 = arith.constant 0 : index
    %get3A_10 = vector.load %arg1[%get3A_7, %get3A_8, %get3A_9] : memref<2x10112x128xf32, #tpu.memory_space<vmem>>, vector<1x10000x128xf32>
    %get3A_11 = vector.shape_cast %get3A_10 : vector<1x10000x128xf32> to vector<10000x128xf32>
    %add3A = arith.addf %get3A_6, %get3A_11 : vector<10000x128xf32>
    %get3A_12 = arith.constant 0 : index
    %get3A_13 = arith.constant 0 : index
    %get3A_14 = vector.load %arg2[%get3A_12, %get3A_13] : memref<10000x1xf32, #tpu.memory_space<vmem>>, vector<10000x1xf32>
    %mul3A = vector.broadcast %get3A_14 : vector<10000x1xf32> to vector<10000x128xf32>
    %mul3A_15 = arith.mulf %add3A, %mul3A : vector<10000x128xf32>
    %add3A_16 = arith.addf %get3A_1, %mul3A_15 : vector<10000x128xf32>
    %get3A_17 = arith.constant 0 : index
    %get3A_18 = arith.constant 0 : index
    %get3A_19 = vector.load %arg3[%get3A_17, %get3A_18] : memref<128x128xf32, #tpu.memory_space<vmem>>, vector<128x128xf32>
    %dot_general3A = arith.constant dense<0.000000e+00> : vector<10000x128xf32>
    %dot_general3A_20 = tpu.matmul %add3A_16, %get3A_19, %dot_general3A {dimension_numbers = #tpu.dot_dimension_numbers<[1], [0], [0], [1], [0, 0, 1, 1], [], []>, transpose_lhs_hint = false} : vector<10000x128xf32>, vector<128x128xf32>, vector<10000x128xf32> -> vector<10000x128xf32>
    %get3A_21 = arith.constant 0 : index
    %get3A_22 = vector.load %arg4[%get3A_21] : memref<128xf32, #tpu.memory_space<vmem>>, vector<128xf32>
    %broadcast_in_dim3A = vector.shape_cast %get3A_22 : vector<128xf32> to vector<1x128xf32>
    %add3A_23 = vector.broadcast %broadcast_in_dim3A : vector<1x128xf32> to vector<10000x128xf32>
    %add3A_24 = arith.addf %dot_general3A_20, %add3A_23 : vector<10000x128xf32>
    %max3A = arith.constant 0.000000e+00 : f32
    %max3A_25 = vector.broadcast %max3A : f32 to vector<10000x128xf32>
    %max3A_26 = arith.maximumf %add3A_24, %max3A_25 : vector<10000x128xf32>
    %get3A_27 = arith.constant 0 : index
    %get3A_28 = arith.constant 0 : index
    %get3A_29 = vector.load %arg5[%get3A_27, %get3A_28] : memref<128x128xf32, #tpu.memory_space<vmem>>, vector<128x128xf32>
    %dot_general3A_30 = arith.constant dense<0.000000e+00> : vector<10000x128xf32>
    %dot_general3A_31 = tpu.matmul %max3A_26, %get3A_29, %dot_general3A_30 {dimension_numbers = #tpu.dot_dimension_numbers<[1], [0], [0], [1], [0, 0, 1, 1], [], []>, transpose_lhs_hint = false} : vector<10000x128xf32>, vector<128x128xf32>, vector<10000x128xf32> -> vector<10000x128xf32>
    %get3A_32 = arith.constant 0 : index
    %get3A_33 = vector.load %arg6[%get3A_32] : memref<128xf32, #tpu.memory_space<vmem>>, vector<128xf32>
    %broadcast_in_dim3A_34 = vector.shape_cast %get3A_33 : vector<128xf32> to vector<1x128xf32>
    %add3A_35 = vector.broadcast %broadcast_in_dim3A_34 : vector<1x128xf32> to vector<10000x128xf32>
    %add3A_36 = arith.addf %dot_general3A_31, %add3A_35 : vector<10000x128xf32>
    %reduce_sum3A = arith.constant dense<0.000000e+00> : vector<128xf32>
    %reduce_sum3A_37 = vector.multi_reduction <add>, %add3A_36, %reduce_sum3A [0] : vector<10000x128xf32> to vector<128xf32>
    %broadcast_in_dim3A_38 = vector.shape_cast %reduce_sum3A_37 : vector<128xf32> to vector<1x128xf32>
    %div3A = arith.constant 1.000000e+04 : f32
    %div3A_39 = vector.broadcast %div3A : f32 to vector<1x128xf32>
    %div3A_40 = arith.divf %broadcast_in_dim3A_38, %div3A_39 : vector<1x128xf32>
    %sub3A = vector.broadcast %div3A_40 : vector<1x128xf32> to vector<10000x128xf32>
    %sub3A_41 = arith.subf %add3A_36, %sub3A : vector<10000x128xf32>
    %mul3A_42 = arith.mulf %sub3A_41, %sub3A_41 : vector<10000x128xf32>
    %reduce_sum3A_43 = arith.constant dense<0.000000e+00> : vector<128xf32>
    %reduce_sum3A_44 = vector.multi_reduction <add>, %mul3A_42, %reduce_sum3A_43 [0] : vector<10000x128xf32> to vector<128xf32>
    %broadcast_in_dim3A_45 = vector.shape_cast %reduce_sum3A_44 : vector<128xf32> to vector<1x128xf32>
    %div3A_46 = arith.constant 1.000000e+04 : f32
    %div3A_47 = vector.broadcast %div3A_46 : f32 to vector<1x128xf32>
    %div3A_48 = arith.divf %broadcast_in_dim3A_45, %div3A_47 : vector<1x128xf32>
    %add3A_49 = arith.constant 9.99999974E-6 : f32
    %add3A_50 = vector.broadcast %add3A_49 : f32 to vector<1x128xf32>
    %add3A_51 = arith.addf %div3A_48, %add3A_50 : vector<1x128xf32>
    %rsqrt3A = math.rsqrt %add3A_51 : vector<1x128xf32>
    %get3A_52 = arith.constant 0 : index
    %get3A_53 = vector.load %arg7[%get3A_52] : memref<128xf32, #tpu.memory_space<vmem>>, vector<128xf32>
    %broadcast_in_dim3A_54 = vector.shape_cast %get3A_53 : vector<128xf32> to vector<1x128xf32>
    %mul3A_55 = arith.mulf %rsqrt3A, %broadcast_in_dim3A_54 : vector<1x128xf32>
    %mul3A_56 = vector.broadcast %mul3A_55 : vector<1x128xf32> to vector<10000x128xf32>
    %mul3A_57 = arith.mulf %sub3A_41, %mul3A_56 : vector<10000x128xf32>
    %get3A_58 = arith.constant 0 : index
    %get3A_59 = vector.load %arg8[%get3A_58] : memref<128xf32, #tpu.memory_space<vmem>>, vector<128xf32>
    %broadcast_in_dim3A_60 = vector.shape_cast %get3A_59 : vector<128xf32> to vector<1x128xf32>
    %add3A_61 = vector.broadcast %broadcast_in_dim3A_60 : vector<1x128xf32> to vector<10000x128xf32>
    %add3A_62 = arith.addf %mul3A_57, %add3A_61 : vector<10000x128xf32>
    %max3A_63 = arith.constant 0.000000e+00 : f32
    %max3A_64 = vector.broadcast %max3A_63 : f32 to vector<10000x128xf32>
    %max3A_65 = arith.maximumf %add3A_62, %max3A_64 : vector<10000x128xf32>
    %swap3A = arith.constant 0 : index
    %swap3A_66 = arith.constant 0 : index
    %swap3A_67 = vector.load %arg9[%swap3A, %swap3A_66] : memref<10000x128xf32, #tpu.memory_space<vmem>>, vector<10000x128xf32>
    tpu.vector_store %arg9[%swap3A, %swap3A_66], %max3A_65 {strides = array<i32>} : memref<10000x128xf32, #tpu.memory_space<vmem>>, vector<10000x128xf32>,
    return
  }
}

module attributes {stable_mosaic.version = 14 : i64} {
  func.func @_tc_layer_body(%arg0: memref<10000x128xf32, #tpu.memory_space<vmem>>, %arg1: memref<2x10112x128xf32, #tpu.memory_space<vmem>>, %arg2: memref<2x10112x128xf32, #tpu.memory_space<vmem>>, %arg3: memref<128x128xf32, #tpu.memory_space<vmem>>, %arg4: memref<128xf32, #tpu.memory_space<vmem>>, %arg5: memref<128x128xf32, #tpu.memory_space<vmem>>, %arg6: memref<128xf32, #tpu.memory_space<vmem>>, %arg7: memref<128xf32, #tpu.memory_space<vmem>>, %arg8: memref<128xf32, #tpu.memory_space<vmem>>, %arg9: memref<10000x128xf32, #tpu.memory_space<vmem>>, %arg10: memref<10000x1xf32, #tpu.memory_space<vmem>>) attributes {dimension_semantics = [], scalar_prefetch = 0 : i64, scratch_operands = 0 : i64, tpu.core_type = #tpu.core_type<tc>} {
    %get3A = arith.constant 0 : index
    %get3A_0 = arith.constant 0 : index
    %get3A_1 = vector.load %arg0[%get3A, %get3A_0] : memref<10000x128xf32, #tpu.memory_space<vmem>>, vector<10000x128xf32>
    %get3A_2 = arith.constant 0 : index
    %get3A_3 = arith.constant 0 : index
    %get3A_4 = arith.constant 0 : index
    %get3A_5 = vector.load %arg1[%get3A_2, %get3A_3, %get3A_4] : memref<2x10112x128xf32, #tpu.memory_space<vmem>>, vector<1x10000x128xf32>
    %get3A_6 = vector.shape_cast %get3A_5 : vector<1x10000x128xf32> to vector<10000x128xf32>
    %get3A_7 = arith.constant 1 : index
    %get3A_8 = arith.constant 0 : index
    %get3A_9 = arith.constant 0 : index
    %get3A_10 = vector.load %arg1[%get3A_7, %get3A_8, %get3A_9] : memref<2x10112x128xf32, #tpu.memory_space<vmem>>, vector<1x10000x128xf32>
    %get3A_11 = vector.shape_cast %get3A_10 : vector<1x10000x128xf32> to vector<10000x128xf32>
    %add3A = arith.addf %get3A_6, %get3A_11 : vector<10000x128xf32>
    %get3A_12 = arith.constant 0 : index
    %get3A_13 = arith.constant 0 : index
    %get3A_14 = arith.constant 0 : index
    %get3A_15 = vector.load %arg2[%get3A_12, %get3A_13, %get3A_14] : memref<2x10112x128xf32, #tpu.memory_space<vmem>>, vector<1x10000x1xf32>
    %get3A_16 = vector.shape_cast %get3A_15 : vector<1x10000x1xf32> to vector<10000x1xf32>
    %get3A_17 = arith.constant 1 : index
    %get3A_18 = arith.constant 0 : index
    %get3A_19 = arith.constant 0 : index
    %get3A_20 = vector.load %arg2[%get3A_17, %get3A_18, %get3A_19] : memref<2x10112x128xf32, #tpu.memory_space<vmem>>, vector<1x10000x1xf32>
    %get3A_21 = vector.shape_cast %get3A_20 : vector<1x10000x1xf32> to vector<10000x1xf32>
    %add3A_22 = arith.addf %get3A_16, %get3A_21 : vector<10000x1xf32>
    %max3A = arith.constant 1.000000e+00 : f32
    %max3A_23 = vector.broadcast %max3A : f32 to vector<10000x1xf32>
    %max3A_24 = arith.maximumf %add3A_22, %max3A_23 : vector<10000x1xf32>
    %div3A = arith.constant 1.000000e+00 : f32
    %div3A_25 = vector.broadcast %div3A : f32 to vector<10000x1xf32>
    %div3A_26 = arith.divf %div3A_25, %max3A_24 : vector<10000x1xf32>
    %swap3A = arith.constant 0 : index
    %swap3A_27 = arith.constant 0 : index
    %swap3A_28 = vector.load %arg10[%swap3A, %swap3A_27] : memref<10000x1xf32, #tpu.memory_space<vmem>>, vector<10000x1xf32>
    tpu.vector_store %arg10[%swap3A, %swap3A_27], %div3A_26 {strides = array<i32>} : memref<10000x1xf32, #tpu.memory_space<vmem>>, vector<10000x1xf32>,
    %mul3A = vector.broadcast %div3A_26 : vector<10000x1xf32> to vector<10000x128xf32>
    %mul3A_29 = arith.mulf %add3A, %mul3A : vector<10000x128xf32>
    %add3A_30 = arith.addf %get3A_1, %mul3A_29 : vector<10000x128xf32>
    %get3A_31 = arith.constant 0 : index
    %get3A_32 = arith.constant 0 : index
    %get3A_33 = vector.load %arg3[%get3A_31, %get3A_32] : memref<128x128xf32, #tpu.memory_space<vmem>>, vector<128x128xf32>
    %dot_general3A = arith.constant dense<0.000000e+00> : vector<10000x128xf32>
    %dot_general3A_34 = tpu.matmul %add3A_30, %get3A_33, %dot_general3A {dimension_numbers = #tpu.dot_dimension_numbers<[1], [0], [0], [1], [0, 0, 1, 1], [], []>, transpose_lhs_hint = false} : vector<10000x128xf32>, vector<128x128xf32>, vector<10000x128xf32> -> vector<10000x128xf32>
    %get3A_35 = arith.constant 0 : index
    %get3A_36 = vector.load %arg4[%get3A_35] : memref<128xf32, #tpu.memory_space<vmem>>, vector<128xf32>
    %broadcast_in_dim3A = vector.shape_cast %get3A_36 : vector<128xf32> to vector<1x128xf32>
    %add3A_37 = vector.broadcast %broadcast_in_dim3A : vector<1x128xf32> to vector<10000x128xf32>
    %add3A_38 = arith.addf %dot_general3A_34, %add3A_37 : vector<10000x128xf32>
    %max3A_39 = arith.constant 0.000000e+00 : f32
    %max3A_40 = vector.broadcast %max3A_39 : f32 to vector<10000x128xf32>
    %max3A_41 = arith.maximumf %add3A_38, %max3A_40 : vector<10000x128xf32>
    %get3A_42 = arith.constant 0 : index
    %get3A_43 = arith.constant 0 : index
    %get3A_44 = vector.load %arg5[%get3A_42, %get3A_43] : memref<128x128xf32, #tpu.memory_space<vmem>>, vector<128x128xf32>
    %dot_general3A_45 = arith.constant dense<0.000000e+00> : vector<10000x128xf32>
    %dot_general3A_46 = tpu.matmul %max3A_41, %get3A_44, %dot_general3A_45 {dimension_numbers = #tpu.dot_dimension_numbers<[1], [0], [0], [1], [0, 0, 1, 1], [], []>, transpose_lhs_hint = false} : vector<10000x128xf32>, vector<128x128xf32>, vector<10000x128xf32> -> vector<10000x128xf32>
    %get3A_47 = arith.constant 0 : index
    %get3A_48 = vector.load %arg6[%get3A_47] : memref<128xf32, #tpu.memory_space<vmem>>, vector<128xf32>
    %broadcast_in_dim3A_49 = vector.shape_cast %get3A_48 : vector<128xf32> to vector<1x128xf32>
    %add3A_50 = vector.broadcast %broadcast_in_dim3A_49 : vector<1x128xf32> to vector<10000x128xf32>
    %add3A_51 = arith.addf %dot_general3A_46, %add3A_50 : vector<10000x128xf32>
    %reduce_sum3A = arith.constant dense<0.000000e+00> : vector<128xf32>
    %reduce_sum3A_52 = vector.multi_reduction <add>, %add3A_51, %reduce_sum3A [0] : vector<10000x128xf32> to vector<128xf32>
    %broadcast_in_dim3A_53 = vector.shape_cast %reduce_sum3A_52 : vector<128xf32> to vector<1x128xf32>
    %div3A_54 = arith.constant 1.000000e+04 : f32
    %div3A_55 = vector.broadcast %div3A_54 : f32 to vector<1x128xf32>
    %div3A_56 = arith.divf %broadcast_in_dim3A_53, %div3A_55 : vector<1x128xf32>
    %sub3A = vector.broadcast %div3A_56 : vector<1x128xf32> to vector<10000x128xf32>
    %sub3A_57 = arith.subf %add3A_51, %sub3A : vector<10000x128xf32>
    %mul3A_58 = arith.mulf %sub3A_57, %sub3A_57 : vector<10000x128xf32>
    %reduce_sum3A_59 = arith.constant dense<0.000000e+00> : vector<128xf32>
    %reduce_sum3A_60 = vector.multi_reduction <add>, %mul3A_58, %reduce_sum3A_59 [0] : vector<10000x128xf32> to vector<128xf32>
    %broadcast_in_dim3A_61 = vector.shape_cast %reduce_sum3A_60 : vector<128xf32> to vector<1x128xf32>
    %div3A_62 = arith.constant 1.000000e+04 : f32
    %div3A_63 = vector.broadcast %div3A_62 : f32 to vector<1x128xf32>
    %div3A_64 = arith.divf %broadcast_in_dim3A_61, %div3A_63 : vector<1x128xf32>
    %add3A_65 = arith.constant 9.99999974E-6 : f32
    %add3A_66 = vector.broadcast %add3A_65 : f32 to vector<1x128xf32>
    %add3A_67 = arith.addf %div3A_64, %add3A_66 : vector<1x128xf32>
    %rsqrt3A = math.rsqrt %add3A_67 : vector<1x128xf32>
    %get3A_68 = arith.constant 0 : index
    %get3A_69 = vector.load %arg7[%get3A_68] : memref<128xf32, #tpu.memory_space<vmem>>, vector<128xf32>
    %broadcast_in_dim3A_70 = vector.shape_cast %get3A_69 : vector<128xf32> to vector<1x128xf32>
    %mul3A_71 = arith.mulf %rsqrt3A, %broadcast_in_dim3A_70 : vector<1x128xf32>
    %mul3A_72 = vector.broadcast %mul3A_71 : vector<1x128xf32> to vector<10000x128xf32>
    %mul3A_73 = arith.mulf %sub3A_57, %mul3A_72 : vector<10000x128xf32>
    %get3A_74 = arith.constant 0 : index
    %get3A_75 = vector.load %arg8[%get3A_74] : memref<128xf32, #tpu.memory_space<vmem>>, vector<128xf32>
    %broadcast_in_dim3A_76 = vector.shape_cast %get3A_75 : vector<128xf32> to vector<1x128xf32>
    %add3A_77 = vector.broadcast %broadcast_in_dim3A_76 : vector<1x128xf32> to vector<10000x128xf32>
    %add3A_78 = arith.addf %mul3A_73, %add3A_77 : vector<10000x128xf32>
    %max3A_79 = arith.constant 0.000000e+00 : f32
    %max3A_80 = vector.broadcast %max3A_79 : f32 to vector<10000x128xf32>
    %max3A_81 = arith.maximumf %add3A_78, %max3A_80 : vector<10000x128xf32>
    %swap3A_82 = arith.constant 0 : index
    %swap3A_83 = arith.constant 0 : index
    %swap3A_84 = vector.load %arg9[%swap3A_82, %swap3A_83] : memref<10000x128xf32, #tpu.memory_space<vmem>>, vector<10000x128xf32>
    tpu.vector_store %arg9[%swap3A_82, %swap3A_83], %max3A_81 {strides = array<i32>} : memref<10000x128xf32, #tpu.memory_space<vmem>>, vector<10000x128xf32>,
    return
  }
}

module attributes {stable_mosaic.version = 14 : i64} {
  func.func @_tc_layer_body(%arg0: memref<10000x128xf32, #tpu.memory_space<vmem>>, %arg1: memref<2x10112x128xf32, #tpu.memory_space<vmem>>, %arg2: memref<10000x1xf32, #tpu.memory_space<vmem>>, %arg3: memref<128x128xf32, #tpu.memory_space<vmem>>, %arg4: memref<128xf32, #tpu.memory_space<vmem>>, %arg5: memref<128x128xf32, #tpu.memory_space<vmem>>, %arg6: memref<128xf32, #tpu.memory_space<vmem>>, %arg7: memref<128xf32, #tpu.memory_space<vmem>>, %arg8: memref<128xf32, #tpu.memory_space<vmem>>, %arg9: memref<128x128xf32, #tpu.memory_space<vmem>>, %arg10: memref<128xf32, #tpu.memory_space<vmem>>, %arg11: memref<1x128xf32, #tpu.memory_space<vmem>>) attributes {dimension_semantics = [], scalar_prefetch = 0 : i64, scratch_operands = 0 : i64, tpu.core_type = #tpu.core_type<tc>} {
    %get3A = arith.constant 0 : index
    %get3A_0 = arith.constant 0 : index
    %get3A_1 = vector.load %arg0[%get3A, %get3A_0] : memref<10000x128xf32, #tpu.memory_space<vmem>>, vector<10000x128xf32>
    %get3A_2 = arith.constant 0 : index
    %get3A_3 = arith.constant 0 : index
    %get3A_4 = arith.constant 0 : index
    %get3A_5 = vector.load %arg1[%get3A_2, %get3A_3, %get3A_4] : memref<2x10112x128xf32, #tpu.memory_space<vmem>>, vector<1x10000x128xf32>
    %get3A_6 = vector.shape_cast %get3A_5 : vector<1x10000x128xf32> to vector<10000x128xf32>
    %get3A_7 = arith.constant 1 : index
    %get3A_8 = arith.constant 0 : index
    %get3A_9 = arith.constant 0 : index
    %get3A_10 = vector.load %arg1[%get3A_7, %get3A_8, %get3A_9] : memref<2x10112x128xf32, #tpu.memory_space<vmem>>, vector<1x10000x128xf32>
    %get3A_11 = vector.shape_cast %get3A_10 : vector<1x10000x128xf32> to vector<10000x128xf32>
    %add3A = arith.addf %get3A_6, %get3A_11 : vector<10000x128xf32>
    %get3A_12 = arith.constant 0 : index
    %get3A_13 = arith.constant 0 : index
    %get3A_14 = vector.load %arg2[%get3A_12, %get3A_13] : memref<10000x1xf32, #tpu.memory_space<vmem>>, vector<10000x1xf32>
    %mul3A = vector.broadcast %get3A_14 : vector<10000x1xf32> to vector<10000x128xf32>
    %mul3A_15 = arith.mulf %add3A, %mul3A : vector<10000x128xf32>
    %add3A_16 = arith.addf %get3A_1, %mul3A_15 : vector<10000x128xf32>
    %get3A_17 = arith.constant 0 : index
    %get3A_18 = arith.constant 0 : index
    %get3A_19 = vector.load %arg3[%get3A_17, %get3A_18] : memref<128x128xf32, #tpu.memory_space<vmem>>, vector<128x128xf32>
    %dot_general3A = arith.constant dense<0.000000e+00> : vector<10000x128xf32>
    %dot_general3A_20 = tpu.matmul %add3A_16, %get3A_19, %dot_general3A {dimension_numbers = #tpu.dot_dimension_numbers<[1], [0], [0], [1], [0, 0, 1, 1], [], []>, transpose_lhs_hint = false} : vector<10000x128xf32>, vector<128x128xf32>, vector<10000x128xf32> -> vector<10000x128xf32>
    %get3A_21 = arith.constant 0 : index
    %get3A_22 = vector.load %arg4[%get3A_21] : memref<128xf32, #tpu.memory_space<vmem>>, vector<128xf32>
    %broadcast_in_dim3A = vector.shape_cast %get3A_22 : vector<128xf32> to vector<1x128xf32>
    %add3A_23 = vector.broadcast %broadcast_in_dim3A : vector<1x128xf32> to vector<10000x128xf32>
    %add3A_24 = arith.addf %dot_general3A_20, %add3A_23 : vector<10000x128xf32>
    %max3A = arith.constant 0.000000e+00 : f32
    %max3A_25 = vector.broadcast %max3A : f32 to vector<10000x128xf32>
    %max3A_26 = arith.maximumf %add3A_24, %max3A_25 : vector<10000x128xf32>
    %get3A_27 = arith.constant 0 : index
    %get3A_28 = arith.constant 0 : index
    %get3A_29 = vector.load %arg5[%get3A_27, %get3A_28] : memref<128x128xf32, #tpu.memory_space<vmem>>, vector<128x128xf32>
    %dot_general3A_30 = arith.constant dense<0.000000e+00> : vector<10000x128xf32>
    %dot_general3A_31 = tpu.matmul %max3A_26, %get3A_29, %dot_general3A_30 {dimension_numbers = #tpu.dot_dimension_numbers<[1], [0], [0], [1], [0, 0, 1, 1], [], []>, transpose_lhs_hint = false} : vector<10000x128xf32>, vector<128x128xf32>, vector<10000x128xf32> -> vector<10000x128xf32>
    %get3A_32 = arith.constant 0 : index
    %get3A_33 = vector.load %arg6[%get3A_32] : memref<128xf32, #tpu.memory_space<vmem>>, vector<128xf32>
    %broadcast_in_dim3A_34 = vector.shape_cast %get3A_33 : vector<128xf32> to vector<1x128xf32>
    %add3A_35 = vector.broadcast %broadcast_in_dim3A_34 : vector<1x128xf32> to vector<10000x128xf32>
    %add3A_36 = arith.addf %dot_general3A_31, %add3A_35 : vector<10000x128xf32>
    %reduce_sum3A = arith.constant dense<0.000000e+00> : vector<128xf32>
    %reduce_sum3A_37 = vector.multi_reduction <add>, %add3A_36, %reduce_sum3A [0] : vector<10000x128xf32> to vector<128xf32>
    %broadcast_in_dim3A_38 = vector.shape_cast %reduce_sum3A_37 : vector<128xf32> to vector<1x128xf32>
    %div3A = arith.constant 1.000000e+04 : f32
    %div3A_39 = vector.broadcast %div3A : f32 to vector<1x128xf32>
    %div3A_40 = arith.divf %broadcast_in_dim3A_38, %div3A_39 : vector<1x128xf32>
    %sub3A = vector.broadcast %div3A_40 : vector<1x128xf32> to vector<10000x128xf32>
    %sub3A_41 = arith.subf %add3A_36, %sub3A : vector<10000x128xf32>
    %mul3A_42 = arith.mulf %sub3A_41, %sub3A_41 : vector<10000x128xf32>
    %reduce_sum3A_43 = arith.constant dense<0.000000e+00> : vector<128xf32>
    %reduce_sum3A_44 = vector.multi_reduction <add>, %mul3A_42, %reduce_sum3A_43 [0] : vector<10000x128xf32> to vector<128xf32>
    %broadcast_in_dim3A_45 = vector.shape_cast %reduce_sum3A_44 : vector<128xf32> to vector<1x128xf32>
    %div3A_46 = arith.constant 1.000000e+04 : f32
    %div3A_47 = vector.broadcast %div3A_46 : f32 to vector<1x128xf32>
    %div3A_48 = arith.divf %broadcast_in_dim3A_45, %div3A_47 : vector<1x128xf32>
    %add3A_49 = arith.constant 9.99999974E-6 : f32
    %add3A_50 = vector.broadcast %add3A_49 : f32 to vector<1x128xf32>
    %add3A_51 = arith.addf %div3A_48, %add3A_50 : vector<1x128xf32>
    %rsqrt3A = math.rsqrt %add3A_51 : vector<1x128xf32>
    %get3A_52 = arith.constant 0 : index
    %get3A_53 = vector.load %arg7[%get3A_52] : memref<128xf32, #tpu.memory_space<vmem>>, vector<128xf32>
    %broadcast_in_dim3A_54 = vector.shape_cast %get3A_53 : vector<128xf32> to vector<1x128xf32>
    %mul3A_55 = arith.mulf %rsqrt3A, %broadcast_in_dim3A_54 : vector<1x128xf32>
    %mul3A_56 = vector.broadcast %mul3A_55 : vector<1x128xf32> to vector<10000x128xf32>
    %mul3A_57 = arith.mulf %sub3A_41, %mul3A_56 : vector<10000x128xf32>
    %get3A_58 = arith.constant 0 : index
    %get3A_59 = vector.load %arg8[%get3A_58] : memref<128xf32, #tpu.memory_space<vmem>>, vector<128xf32>
    %broadcast_in_dim3A_60 = vector.shape_cast %get3A_59 : vector<128xf32> to vector<1x128xf32>
    %add3A_61 = vector.broadcast %broadcast_in_dim3A_60 : vector<1x128xf32> to vector<10000x128xf32>
    %add3A_62 = arith.addf %mul3A_57, %add3A_61 : vector<10000x128xf32>
    %max3A_63 = arith.constant 0.000000e+00 : f32
    %max3A_64 = vector.broadcast %max3A_63 : f32 to vector<10000x128xf32>
    %max3A_65 = arith.maximumf %add3A_62, %max3A_64 : vector<10000x128xf32>
    %reduce_sum3A_66 = arith.constant dense<0.000000e+00> : vector<128xf32>
    %reduce_sum3A_67 = vector.multi_reduction <add>, %max3A_65, %reduce_sum3A_66 [0] : vector<10000x128xf32> to vector<128xf32>
    %broadcast_in_dim3A_68 = vector.shape_cast %reduce_sum3A_67 : vector<128xf32> to vector<1x128xf32>
    %div3A_69 = arith.constant 1.000000e+04 : f32
    %div3A_70 = vector.broadcast %div3A_69 : f32 to vector<1x128xf32>
    %div3A_71 = arith.divf %broadcast_in_dim3A_68, %div3A_70 : vector<1x128xf32>
    %get3A_72 = arith.constant 0 : index
    %get3A_73 = arith.constant 0 : index
    %get3A_74 = vector.load %arg9[%get3A_72, %get3A_73] : memref<128x128xf32, #tpu.memory_space<vmem>>, vector<128x128xf32>
    %dot_general3A_75 = arith.constant dense<0.000000e+00> : vector<1x128xf32>
    %dot_general3A_76 = tpu.matmul %div3A_71, %get3A_74, %dot_general3A_75 {dimension_numbers = #tpu.dot_dimension_numbers<[1], [0], [0], [1], [0, 0, 1, 1], [], []>, transpose_lhs_hint = false} : vector<1x128xf32>, vector<128x128xf32>, vector<1x128xf32> -> vector<1x128xf32>
    %get3A_77 = arith.constant 0 : index
    %get3A_78 = vector.load %arg10[%get3A_77] : memref<128xf32, #tpu.memory_space<vmem>>, vector<128xf32>
    %broadcast_in_dim3A_79 = vector.shape_cast %get3A_78 : vector<128xf32> to vector<1x128xf32>
    %add3A_80 = arith.addf %dot_general3A_76, %broadcast_in_dim3A_79 : vector<1x128xf32>
    %swap3A = arith.constant 0 : index
    %swap3A_81 = arith.constant 0 : index
    %swap3A_82 = vector.load %arg11[%swap3A, %swap3A_81] : memref<1x128xf32, #tpu.memory_space<vmem>>, vector<1x128xf32>
    tpu.vector_store %arg11[%swap3A, %swap3A_81], %add3A_80 {strides = array<i32>} : memref<1x128xf32, #tpu.memory_space<vmem>>, vector<1x128xf32>,
    return
  }
}

</mosaic_0001>

<sc_bundles>
// kernel: kernel.12.cloned.1.call-start
scs
__scs_entry_jumppad:
0x0: {  	(pc) =	sbr.rel $0x88, $3  }
0x1: {  	(tag) =	ssettag $0x0;
	lr =	simm.s32 $0x1  }
0x2: {  	[smem:$0x3F97] =	sst lr;
	_ =	strace $0xD0000000  }
0x3: {  	_ = 	snop  }
0x4: {  	_ = 	snop  }
0x5: {  	_ = 	snop  }
0x6: {  	_ = 	snop  }
0x7: {  	_ = 	snop  }
__scs_overlays_trampoline_lowered:
0x8: {  	[smem:$0x3FA6] =	sst s0  }
0x9: {  	[smem:$0x3FA7] =	sst s1  }
0xa: {  	[smem:$0x3FA8] =	sst s2  }
0xb: {  	[smem:$0x3FA9] =	sst s3  }
0xc: {  	[smem:$0x3FAA] =	sst s4  }
0xd: {  	[smem:$0x3FAB] =	sst s5  }
0xe: {  	[smem:$0x3FAC] =	sst s6  }
0xf: {  	[smem:$0x3FAD] =	sst s7  }
0x10: {  	[smem:$0x3FAE] =	sst s8  }
0x11: {  	[smem:$0x3FAF] =	sst s9;
	s0 =	simm.s32 @!p0 $0x0  }
0x12: {  	s1 =	sld [smem:$0x3F95];
	s0 =	simm.s32 @p0 $0x1  }
0x13: {  	[smem:$0x3FB0] =	sst s0;
	s0 =	simm.s32 @!p1 $0x0  }
0x14: {  	s2 =	sld [smem:$0x3F94];
	s0 =	simm.s32 @p1 $0x1  }
0x15: {  	[smem:$0x3FB1] =	sst s0;
	s0 =	simm.s32 @!p2 $0x0  }
0x16: {  	s3 =	sld [smem:$0x3FDB];
	s0 =	simm.s32 @p2 $0x1  }
0x17: {  	s4 =	simm.s32 $0x1BF5;
	[smem:$0x3FB3] =	sst s0  }
0x18: {  	s0 =	sld [smem:$0x3F96];
	_ =	swait.ge [sflag:s4], $0x0  }
0x19: {  	s7 =	sld [smem:$0x3F97]  }
0x1a: {  	s8 =	sadd.s32 $0xFFFFE003, lr  }
0x1b: {  	s9 =	sadd.s32 $0xFFFFFEF7, lr;
	s5 =	simm.s32 $0xFFFFFFFF;
	p2 =	slt.u32 s8, $0xFFFFF086  }
0x1c: {  	p1 =	slt.u32 s9, $0xF7A;
	s5 =	simm.s32 @!p2 $0x0  }
0x1d: {  	s5 =	simm.s32 @p1 $0x1;
	p0 =	seq.s32 s7, s2  }
0x1e: {  	s7 =	smul.u32 @!p0 $0xF7A, s2;
	p2 =	seq.s32 @!p0 s5, $0x0  }
0x1f: {  	s9 =	smul.u32 $0xF7A, s1;
	s8 =	simm.s32 @!p0 $0x1BF5;
	p2 =	por !p2, p0  }
0x20: {  	[sflag:s8] =	ssyncset.s32 @!p0 $0xFFFFF086;
	s6 =	sadd.s32 @!p0 s3, s7;
	s7 =	simm.s32 @!p0 $0x108  }
0x21: {  	s3 =	sadd.s32 s3, s9;
	s6 =	sadd.s32 @!p0 $0x88, s6;
	s7 =	simm.s32 @p2 $0x1082  }
0x22: {  	[simem:s7], [sflag:s8] =	dma.local @!p0 [hbm:s6], $0xF7A  }
0x23: {  	s9 =	sor.u32 $0xD0000000, s2;
	s6 =	simm.s32 $0x108;
	_ =	swait.ge @!p0 [sflag:s8], $0x0  }
0x24: {  	s3 =	sadd.s32 $0x88, s3;
	s6 =	simm.s32 @!p1 $0x1082;
	[sflag:s4] =	ssyncset.s32 $0xFFFFF086  }
0x25: {  	[simem:s6], [sflag:s4] =	dma.local [hbm:s3], $0xF7A  }
0x26: {  	[smem:$0x3F97] =	sst s1;
	(tag) =	ssettag s2;
	_ =	strace s9  }
0x27: {  	s1 =	sld [smem:$0x3FA7]  }
0x28: {  	s2 =	sld [smem:$0x3FA8]  }
0x29: {  	s4 =	sld [smem:$0x3FAA]  }
0x2a: {  	p0 =	seq.s32 s5, $0x0;
	s5 =	sld [smem:$0x3FAB]  }
0x2b: {  	s6 =	sld [smem:$0x3FAC]  }
0x2c: {  	s7 =	sld [smem:$0x3FAD]  }
0x2d: {  	s3 =	simm.s32 $0x108;
	s8 =	sld [smem:$0x3FAE]  }
0x2e: {  	s3 =	simm.s32 @!p0 $0x1082;
	s9 =	sld [smem:$0x3FAF]  }
0x2f: {  	lr =	sadd.s32 s0, s3;
	s0 =	sld [smem:$0x3FA6]  }
0x30: {  	s3 =	sld [smem:$0x3FA9]  }
0x31: {  	[smem:$0x3FB2] =	sst s10  }
0x32: {  	s10 =	sld [smem:$0x3FB0];
	_ =	sdelay $0x3  }
0x33: {  	p0 =	seq.s32 s10, $0x1;
	s10 =	sld [smem:$0x3FB2];
	_ =	sdelay $0x3  }
0x34: {  	[smem:$0x3FB2] =	sst s10  }
0x35: {  	s10 =	sld [smem:$0x3FB1];
	_ =	sdelay $0x3  }
0x36: {  	p1 =	seq.s32 s10, $0x1;
	s10 =	sld [smem:$0x3FB2];
	_ =	sdelay $0x3  }
0x37: {  	[smem:$0x3FB2] =	sst s10  }
0x38: {  	s10 =	sld [smem:$0x3FB3]  }
0x39: {  	_ = 	snop;
	(pc) =	sbr.ind lr, $3  }
0x3a: {  	_ = 	snop  }
0x3b: {  	_ = 	snop  }
0x3c: {  	p2 =	seq.s32 s10, $0x1;
	s10 =	sld [smem:$0x3FB2]  }
0x3d: {  	_ =	shalt  }
0x3e: {  	_ =	shalt  }
0x3f: {  	_ =	shalt  }
0x40: {  	_ =	shalt  }
0x41: {  	_ =	shalt  }
0x42: {  	_ =	shalt  }
0x43: {  	_ =	shalt  }
0x44: {  	_ =	shalt  }
0x45: {  	_ =	shalt  }
0x46: {  	_ =	shalt  }
0x47: {  	_ =	shalt  }
0x48: {  	_ =	shalt  }
0x49: {  	_ =	shalt  }
0x4a: {  	_ =	shalt  }
0x4b: {  	_ =	shalt  }
0x4c: {  	_ =	shalt  }
0x4d: {  	_ =	shalt  }
0x4e: {  	_ =	shalt  }
0x4f: {  	_ =	shalt  }
0x50: {  	_ =	shalt  }
0x51: {  	_ =	shalt  }
0x52: {  	_ =	shalt  }
0x53: {  	_ =	shalt  }
0x54: {  	_ =	shalt  }
0x55: {  	_ =	shalt  }
0x56: {  	_ =	shalt  }
0x57: {  	_ =	shalt  }
0x58: {  	_ =	shalt  }
0x59: {  	_ =	shalt  }
0x5a: {  	_ =	shalt  }
0x5b: {  	_ =	shalt  }
0x5c: {  	_ =	shalt  }
0x5d: {  	_ =	shalt  }
0x5e: {  	_ =	shalt  }
0x5f: {  	_ =	shalt  }
0x60: {  	_ =	shalt  }
0x61: {  	_ =	shalt  }
0x62: {  	_ =	shalt  }
0x63: {  	_ =	shalt  }
0x64: {  	_ =	shalt  }
0x65: {  	_ =	shalt  }
0x66: {  	_ =	shalt  }
0x67: {  	_ =	shalt  }
0x68: {  	_ =	shalt  }
0x69: {  	_ =	shalt  }
0x6a: {  	_ =	shalt  }
0x6b: {  	_ =	shalt  }
0x6c: {  	_ =	shalt  }
0x6d: {  	_ =	shalt  }
0x6e: {  	_ =	shalt  }
0x6f: {  	_ =	shalt  }
0x70: {  	_ =	shalt  }
0x71: {  	_ =	shalt  }
0x72: {  	_ =	shalt  }
0x73: {  	_ =	shalt  }
0x74: {  	_ =	shalt  }
0x75: {  	_ =	shalt  }
0x76: {  	_ =	shalt  }
0x77: {  	_ =	shalt  }
0x78: {  	_ =	shalt  }
0x79: {  	_ =	shalt  }
0x7a: {  	_ =	shalt  }
0x7b: {  	_ =	shalt  }
0x7c: {  	_ =	shalt  }
0x7d: {  	_ =	shalt  }
0x7e: {  	_ =	shalt  }
0x7f: {  	_ =	shalt  }
0x80: {  	_ =	shalt  }
0x81: {  	_ =	shalt  }
0x82: {  	_ =	shalt  }
0x83: {  	_ =	shalt  }
0x84: {  	_ =	shalt  }
0x85: {  	_ =	shalt  }
0x86: {  	_ =	shalt  }
0x87: {  	_ =	shalt  }
.Lfunc_end0:
.L_simem_size_0:
called_computation.1_lowered:
.L_overlay_start_0:
0x88: {  	s2 =	sld [smem:$0x3FD9]  }
0x89: {  	s3 =	sld [smem:$0x3FFE];
	_ =	sdelay $0x1  }
0x8a: {  	s1 =	srdreg.scid  }
0x8b: {  	s0 =	sand.u32 $0x1, s1  }
0x8c: {  	s17 =	sshll.u32 s0, $0xA;
	s2 =	sadd.s32 s3, s2  }
0x8d: {  	s2 =	sadd.s32 s2, s17  }
0x8e: {  	[smem:$0x3FBE] =	sst s2  }
0x8f: {  	_ = 	snop  }
0x90: {  	s2 =	sld [smem:$0x3FC9];
	(tm) =	ssettm $0x1  }
0x91: {  	s18 =	sld [smem:$0x3FFB];
	_ =	sdelay $0x3  }
0x92: {  	_ =	strace s18  }
0x93: {  	s3 =	sld [smem:$0x3FFC];
	_ =	sdelay $0x3  }
0x94: {  	_ =	strace s3  }
0x95: {  	s3 =	sld [smem:$0x3FFD];
	_ =	sdelay $0x3  }
0x96: {  	_ =	strace s3  }
0x97: {  	_ =	strace $0x8FFFFFFF  }
0x98: {  	s19 =	sld [smem:$0x3FDB];
	_ =	sdelay $0x1  }
0x99: {  	s4 =	simm.s32 $_scs_section_size  }
0x9a: {  	s5 =	simm.s32 $_size__tile_overlayer_lowered;
	s6 =	simm.s32 $_tile_overlayer_lowered  }
0x9b: {  	s22 =	simm.s32 $0x1BFF;
	s21 =	sshll.u32 s6, $0x1;
	s3 =	sadd.s32 s4, s19  }
0x9c: {  	s7 =	simm.s32 $0x0;
	s20 =	sshll.u32 s5, $0x1;
	s5 =	sadd.s32 s21, s3  }
0x9d: {  	[timem:s7], [sflag:s22] =	dma.local [hbm:s5], s20  }
0x9e: {  	_ =	swait.ge [sflag:s22], s20  }
0x9f: {  	s4 =	ssub.s32 $0x0, s20;
	[sflag:s22] =	ssyncset.done $0x0  }
0xa0: {  	[sflag:s22] =	ssyncadd.s32 s4;
	_ =	sdelay $0x1  }
0xa1: {  	s23 =	simm.s32 $0x1B8B  }
0xa2: {  	_ =	swait.ge [sflag:s23], $0x1  }
0xa3: {  	[sflag:s23] =	ssyncset.done $0x0  }
0xa4: {  	s25 =	simm.s32 $0x1B8E;
	s24 =	sld [smem:$0x3FFE];
	[sflag:s23] =	ssyncadd.s32 $0xFFFFFFFF  }
0xa5: {  	s26 =	simm.s32 $execute0_lowered;
	[smem:$0x3FD2] =	sst s25  }
0xa6: {  	s5 =	sshll.u32 s26, $0x1;
	_ =	strace $0x80000046;
	[dreg:$0x1] =	wrdreg $0xFFFFFFFF  }
0xa7: {  	s28 =	simm.s32 $_size_execute0_lowered;
	s3 =	sadd.s32 s3, s5;
	[dreg:$0x0] =	wrdreg $0x0  }
0xa8: {  	s5 =	sshll.u32 s28, $0x1;
	[dreg:$0x2] =	wrdreg s3  }
0xa9: {  	[dreg:$0x3] =	wrdreg s5  }
0xaa: {  	[dreg:$0x4] =	wrdreg $0xC0  }
0xab: {  	_ =	task [dreg:s7], $0x5FFFF  }
0xac: {  	[dreg:$0x1] =	wrdreg $0xFFFFFFFF  }
0xad: {  	[dreg:$0x0] =	wrdreg $0x60  }
0xae: {  	[dreg:$0x2] =	wrdreg s2  }
0xaf: {  	[dreg:$0x3] =	wrdreg s24  }
0xb0: {  	[dreg:$0x4] =	wrdreg $0x50000  }
0xb1: {  	[dreg:$0x5] =	wrdreg $0xA  }
0xb2: {  	_ =	task.clear_ibuf [dreg:s7], $0x6FFFF;
	_ =	strace $0x90000046  }
0xb3: {  	s29 =	simm.s32 $0xA;
	_ =	strace $0x80000048  }
0xb4: {  	_ =	swait.ge [sflag:s29], $0x1  }
0xb5: {  	[sflag:s29] =	ssyncadd.s32 $0xFFFFFFFF  }
0xb6: {  	_ =	strace $0x90000048  }
0xb7: {  	_ =	sfence  }
0xb8: {  	s30 =	sld [smem:$0x0];
	_ =	sdelay $0x2  }
0xb9: {  	s31 =	sshll.u32 s1, $0xD;
	s1 =	sshrl.u32 s1, $0x2  }
0xba: {  	s3 =	sand.u32 $0x4000, s31;
	s1 =	sadd.s32 s1, s30  }
0xbb: {  	s0 =	sor.u32 s3, s0;
	s1 =	sshll.u32 s1, $0x11  }
0xbc: {  	s0 =	sor.u32 s1, s0  }
0xbd: {  	s0 =	sadd.s32 $0x8F2B, s0  }
0xbe: {  	[sflag:s0] =	ssyncadd.remote.s32 $0x1  }
0xbf: {  	_ =	sfence.sel $0xFFFF  }
0xc0: {  	[dreg:$0x0] =	wrdreg $0xFFFFFFFF;
	(pc) =	sbr.abs _section_cstart, $3  }
0xc1: {  	[dreg:$0x1] =	wrdreg $0xFFFFFFFF  }
0xc2: {  	_ =	task.clear_ibuf [dreg:s7], $0x2FFFF;
	_ =	strace $0x9FFFFFFF  }
0xc3: {  	(tm) =	ssettm $0x7FFFFFFF  }
tec
execute0_lowered:
.L_overlay_start_1:
0x0: {  	(tag) =	ssettag $0x1  }
0x1: {  	s1 =	rddreg [dreg:$0x0]  }
0x2: {  	s2 =	srdreg.scid;
	s7 =	rddreg [dreg:$0x1]  }
0x3: {  	s0 =	stileid.u32;
	s3 =	rddreg [dreg:$0x2];
	s4 =	simm.s32 $0x0  }
0x4: {  	s14 =	simm.s32 $0x80;
	s15 =	simm.s32 $0x18C00;
	s16 =	simm.s32 $0x2  }
0x5: {  	s17 =	simm.s32 $0x0;
	s6 =	sand.u32 $0x1, s2;
	s9 =	smul.u32 $0x13C00, s0  }
0x6: {  	s26 =	sshll.u32 s0, $0x1;
	[smem:$0x7FF] =	sst s4;
	s28 =	smul.u32 $0x4F000, s0  }
0x7: {  	s31 =	sshll.u32 s0, $0x6;
	s2 =	sor.u32 s6, s26;
	s8 =	smul.u32 $0x13C000, s6  }
0x8: {  	s6 =	ssub.s32 $0x2, s6;
	s5 =	smul.u32 $0x500, s2;
	s2 =	rddreg [dreg:$0x3]  }
0x9: {  	_ =	strace $0x80000047;
	s29 =	sshrl.u32 s6, $0x1;
	s30 =	sshrl.u32 s28, $0x2  }
0xa: {  	s8 =	sadd.s32 s9, s8;
	s12 =	ssub.s32 s6, s29;
	s13 =	sadd.s32 s30, s3  }
0xb: {  	s6 =	sor.u32 $0x1C01, s31;
	s10 =	sadd.s32 s5, s7;
	s8 =	sshrl.u32 s8, $0x3  }
0xc: {  	s5 =	sadd.s32 $0x17800, s7;
	s11 =	sadd.s32 s8, s7;
	s7 =	sadd.s32 $0xD800, s10  }
0xd: {  	s8 =	sadd.s32 $0x3800, s10;
	s10 =	smax.u32 s12, $0x1;
	s12 =	simm.s32 $0x1  }
0xe: {  	s9 =	sadd.s32 $0x1A000, s11;
	s11 =	sshrl.u32 s13, $0x3;
	s13 =	simm.s32 $0x2800  }
.LBB2_1:
0xf: {  	[spmem:s11], [sflag:s6] =	dma.local [hbm:s5], $0x2780  }
0x10: {  	_ =	swait.ge [sflag:s12], $0x2780  }
0x11: {  	[sflag:s12] =	ssyncset.done $0x0  }
0x12: {  	[sflag:s12] =	ssyncadd.s32 $0xFFFFD880  }
0x13: {  	[tilespmem:s4], [sflag:$0x1] =	stream.linear.gather [hbm4b:s7+s4], $0x2780, $0x38;
	[tilespmem:$0x1CC00] =	vst v63  }
0x14: {  	_ =	swait.ge [sflag:s12], $0x2780  }
0x15: {  	[sflag:s12] =	ssyncset.done $0x0  }
0x16: {  	[sflag:s12] =	ssyncadd.s32 $0xFFFFD880  }
0x17: {  	[tilespmem:s13], [sflag:$0x1] =	stream.linear.gather [hbm4b:s8+s4], $0x2780, $0x38;
	[tilespmem:$0x1CC00] =	vst v63  }
0x18: {  	_ =	swait.ge [sflag:s12], $0x2780  }
0x19: {  	[sflag:s12] =	ssyncset.done $0x0  }
0x1a: {  	[sflag:s12] =	ssyncadd.s32 $0xFFFFD880  }
0x1b: {  	s18 =	simm.s32 $0x0;
	[bflag:$0x0] =	sbarrier.arrive $0xFFFF  }
0x1c: {  	[tilespmem:s15], [sflag:$0x1] =	stream.indirect.gather [hbm4b:s1+s14], $0x80, s18, s14, $0xb8;
	[tilespmem:$0x1CC00] =	vst v63  }
0x1d: {  	_ =	swait.ge [sflag:s12], $0x4000  }
0x1e: {  	[sflag:s12] =	ssyncset.done $0x0  }
0x1f: {  	s24 =	simm.s32 $0x2800;
	[sflag:s12] =	ssyncadd.s32 $0xFFFFC000  }
0x20: {  	[spmem:s3] =	stream.indirect.scatter.add.f32 [tilespmem:s15], [sflag:$0x2], $0x80, s24, s14, $0xb8;
	[tilespmem:$0x1CC00] =	vst v63  }
0x21: {  	_ =	swait.ge [sflag:s16], $0x4000  }
0x22: {  	[sflag:s16] =	ssyncset.done $0x0  }
0x23: {  	s25 =	simm.s32 $0x80;
	[sflag:s16] =	ssyncadd.s32 $0xFFFFC000  }
0x24: {  	[tilespmem:s15], [sflag:$0x1] =	stream.indirect.gather [hbm4b:s1+s14], $0x80, s25, s14, $0xb8;
	[tilespmem:$0x1CC00] =	vst v63  }
0x25: {  	_ =	swait.ge [sflag:s12], $0x4000  }
0x26: {  	[sflag:s12] =	ssyncset.done $0x0  }
0x27: {  	s26 =	simm.s32 $0x2880;
	[sflag:s12] =	ssyncadd.s32 $0xFFFFC000  }
0x28: {  	[spmem:s3] =	stream.indirect.scatter.add.f32 [tilespmem:s15], [sflag:$0x2], $0x80, s26, s14, $0xb8;
	[tilespmem:$0x1CC00] =	vst v63  }
0x29: {  	_ =	swait.ge [sflag:s16], $0x4000  }
0x2a: {  	[sflag:s16] =	ssyncset.done $0x0  }
0x2b: {  	s28 =	simm.s32 $0x100;
	[sflag:s16] =	ssyncadd.s32 $0xFFFFC000  }
0x2c: {  	[tilespmem:s15], [sflag:$0x1] =	stream.indirect.gather [hbm4b:s1+s14], $0x80, s28, s14, $0xb8;
	[tilespmem:$0x1CC00] =	vst v63  }
0x2d: {  	_ =	swait.ge [sflag:s12], $0x4000  }
0x2e: {  	[sflag:s12] =	ssyncset.done $0x0  }
0x2f: {  	s29 =	simm.s32 $0x2900;
	[sflag:s12] =	ssyncadd.s32 $0xFFFFC000  }
0x30: {  	[spmem:s3] =	stream.indirect.scatter.add.f32 [tilespmem:s15], [sflag:$0x2], $0x80, s29, s14, $0xb8;
	[tilespmem:$0x1CC00] =	vst v63  }
0x31: {  	_ =	swait.ge [sflag:s16], $0x4000  }
0x32: {  	[sflag:s16] =	ssyncset.done $0x0  }
0x33: {  	s30 =	simm.s32 $0x180;
	[sflag:s16] =	ssyncadd.s32 $0xFFFFC000  }
0x34: {  	[tilespmem:s15], [sflag:$0x1] =	stream.indirect.gather [hbm4b:s1+s14], $0x80, s30, s14, $0xb8;
	[tilespmem:$0x1CC00] =	vst v63  }
0x35: {  	_ =	swait.ge [sflag:s12], $0x4000  }
0x36: {  	[sflag:s12] =	ssyncset.done $0x0  }
0x37: {  	s31 =	simm.s32 $0x2980;
	[sflag:s12] =	ssyncadd.s32 $0xFFFFC000  }
0x38: {  	[spmem:s3] =	stream.indirect.scatter.add.f32 [tilespmem:s15], [sflag:$0x2], $0x80, s31, s14, $0xb8;
	[tilespmem:$0x1CC00] =	vst v63  }
0x39: {  	_ =	swait.ge [sflag:s16], $0x4000  }
0x3a: {  	s19 =	simm.s32 $0x800;
	s18 =	simm.s32 $0x0;
	[sflag:s16] =	ssyncset.done $0x0  }
.LBB2_2:
0x3b: {  	s20 =	sshra.s32 s19, $0x2;
	[sflag:s16] =	ssyncadd.s32 $0xFFFFC000  }
0x3c: {  	[tilespmem:s15], [sflag:$0x1] =	stream.indirect.gather [hbm4b:s1+s14], $0x80, s20, s14, $0xb8;
	[tilespmem:$0x1CC00] =	vst v63  }
0x3d: {  	_ =	swait.ge [sflag:s12], $0x4000  }
0x3e: {  	[sflag:s12] =	ssyncset.done $0x0  }
0x3f: {  	s21 =	sadd.s32 $0x2800, s20;
	[sflag:s12] =	ssyncadd.s32 $0xFFFFC000  }
0x40: {  	[spmem:s3] =	stream.indirect.scatter.add.f32 [tilespmem:s15], [sflag:$0x2], $0x80, s21, s14, $0xb8;
	[tilespmem:$0x1CC00] =	vst v63  }
0x41: {  	_ =	swait.ge [sflag:s16], $0x4000  }
0x42: {  	[sflag:s16] =	ssyncset.done $0x0  }
0x43: {  	s21 =	sadd.s32 $0x80, s20;
	[sflag:s16] =	ssyncadd.s32 $0xFFFFC000  }
0x44: {  	[tilespmem:s15], [sflag:$0x1] =	stream.indirect.gather [hbm4b:s1+s14], $0x80, s21, s14, $0xb8;
	[tilespmem:$0x1CC00] =	vst v63  }
0x45: {  	_ =	swait.ge [sflag:s12], $0x4000  }
0x46: {  	[sflag:s12] =	ssyncset.done $0x0  }
0x47: {  	s21 =	sadd.s32 $0x2880, s20;
	[sflag:s12] =	ssyncadd.s32 $0xFFFFC000  }
0x48: {  	[spmem:s3] =	stream.indirect.scatter.add.f32 [tilespmem:s15], [sflag:$0x2], $0x80, s21, s14, $0xb8;
	[tilespmem:$0x1CC00] =	vst v63  }
0x49: {  	_ =	swait.ge [sflag:s16], $0x4000  }
0x4a: {  	s18 =	sadd.s32 $0x4, s18;
	[sflag:s16] =	ssyncset.done $0x0  }
0x4b: {  	p0 =	slt.u32 s18, $0x48;
	s21 =	sadd.s32 $0x100, s20;
	[sflag:s16] =	ssyncadd.s32 $0xFFFFC000  }
0x4c: {  	[tilespmem:s15], [sflag:$0x1] =	stream.indirect.gather [hbm4b:s1+s14], $0x80, s21, s14, $0xb8;
	[tilespmem:$0x1CC00] =	vst v63  }
0x4d: {  	_ =	swait.ge [sflag:s12], $0x4000  }
0x4e: {  	[sflag:s12] =	ssyncset.done $0x0  }
0x4f: {  	s21 =	sadd.s32 $0x2900, s20;
	[sflag:s12] =	ssyncadd.s32 $0xFFFFC000  }
0x50: {  	[spmem:s3] =	stream.indirect.scatter.add.f32 [tilespmem:s15], [sflag:$0x2], $0x80, s21, s14, $0xb8;
	[tilespmem:$0x1CC00] =	vst v63  }
0x51: {  	_ =	swait.ge [sflag:s16], $0x4000  }
0x52: {  	[sflag:s16] =	ssyncset.done $0x0  }
0x53: {  	s21 =	sadd.s32 $0x180, s20;
	[sflag:s16] =	ssyncadd.s32 $0xFFFFC000  }
0x54: {  	[tilespmem:s15], [sflag:$0x1] =	stream.indirect.gather [hbm4b:s1+s14], $0x80, s21, s14, $0xb8;
	[tilespmem:$0x1CC00] =	vst v63  }
0x55: {  	_ =	swait.ge [sflag:s12], $0x4000  }
.Ltmp0:
0x56: {  	[sflag:s12] =	ssyncset.done $0x0;
	(pc) =	sbr.rel @p0 .LBB2_2-.Ltmp0, $4  }
0x57: {  	s20 =	sadd.s32 $0x2980, s20;
	[sflag:s12] =	ssyncadd.s32 $0xFFFFC000  }
0x58: {  	[spmem:s3] =	stream.indirect.scatter.add.f32 [tilespmem:s15], [sflag:$0x2], $0x80, s20, s14, $0xb8;
	[tilespmem:$0x1CC00] =	vst v63  }
0x59: {  	_ =	swait.ge [sflag:s16], $0x4000  }
0x5a: {  	s19 =	sadd.s32 $0x800, s19;
	[sflag:s16] =	ssyncset.done $0x0  }
0x5b: {  	[sflag:s16] =	ssyncadd.s32 $0xFFFFC000;
	s18 =	simm.s32 $0x0  }
.LBB2_4:
0x5c: {  	s19 =	sshra.s32 s18, $0x2  }
0x5d: {  	s20 =	sadd.s32 $0x2600, s19  }
0x5e: {  	[tilespmem:s15], [sflag:$0x1] =	stream.indirect.gather [hbm4b:s1+s14], $0x80, s20, s14, $0xb8;
	[tilespmem:$0x1CC00] =	vst v63  }
0x5f: {  	_ =	swait.ge [sflag:s12], $0x4000  }
0x60: {  	p0 =	sne.s32 s18, $0x400;
	[sflag:s12] =	ssyncset.done $0x0  }
.Ltmp1:
0x61: {  	s19 =	sadd.s32 $0x4E00, s19;
	[sflag:s12] =	ssyncadd.s32 $0xFFFFC000;
	(pc) =	sbr.rel @p0 .LBB2_4-.Ltmp1, $4  }
0x62: {  	[spmem:s3] =	stream.indirect.scatter.add.f32 [tilespmem:s15], [sflag:$0x2], $0x80, s19, s14, $0xb8;
	[tilespmem:$0x1CC00] =	vst v63  }
0x63: {  	_ =	swait.ge [sflag:s16], $0x4000  }
0x64: {  	[sflag:s16] =	ssyncset.done $0x0  }
0x65: {  	s18 =	sadd.s32 $0x200, s18;
	[sflag:s16] =	ssyncadd.s32 $0xFFFFC000  }
0x66: {  	s17 =	sadd.s32 $0x1, s17  }
0x67: {  	p0 =	sne.s32 s17, s10  }
.Ltmp2:
0x68: {  	[bflag:$0x0] =	sbarrier.arrive $0xFFFF;
	(pc) =	sbr.rel @p0 .LBB2_1-.Ltmp2, $4  }
0x69: {  	[hbm:s9], [sflag:s6] =	dma.local [spmem:s11], $0x2780  }
0x6a: {  	_ =	swait.ge [sflag:s12], $0x2780  }
0x6b: {  	[sflag:s12] =	ssyncset.done $0x0  }
0x6c: {  	[sflag:s12] =	ssyncadd.s32 $0xFFFFD880  }
0x6d: {  	_ =	sfence.sel $0x180000  }
0x6e: {  	[bflag:$0x0] =	sbarrier.arrive $0xFFFF  }
0x6f: {  	p0 =	sne.s32 s0, $0x0;
	_ =	strace $0x90000047  }
0x70: {  	s0 =	sadd.s32 @!p0 $0x100000, s2;
	[bflag:$0x2] =	sbarrier.arrive $0xFFFF  }
0x71: {  	[sflag:s0] =	ssyncadd.tile.s32 @!p0 $0x1;
	_ =	shalt  }
.Lfunc_end2:
_tile_overlayer_lowered:
.L_overlay_start_2:
0x72: {  	(tag) =	ssettag $0x2  }
0x73: {  	s0 =	rddreg [dreg:$0x0];
	s2 =	stileid.u32  }
0x74: {  	s1 =	rddreg [dreg:$0x1];
	p0 =	sne.s32 s2, $0x0  }
0x75: {  	s3 =	rddreg [dreg:$0x2];
	[bflag:$0x3] =	sbarrier.arrive $0xFFFF;
	s2 =	simm.s32 @!p0 $0x1C01  }
0x76: {  	[timem:s3], [sflag:s2] =	dma.local @!p0 [hbm:s0], s1  }
0x77: {  	s0 =	simm.s32 @!p0 $0x1  }
0x78: {  	_ =	swait.ge @!p0 [sflag:s0], s1  }
0x79: {  	s1 =	ssub.s32 @!p0 $0x0, s1;
	[sflag:s0] =	ssyncset.done @!p0 $0x0  }
0x7a: {  	[sflag:s0] =	ssyncadd.s32 @!p0 s1  }
0x7b: {  	[bflag:$0x3] =	sbarrier.arrive $0xFFFF  }
0x7c: {  	_ =	shalt  }

// kernel: kernel.15.cloned.1.call-start
scs
__scs_entry_jumppad:
0x0: {  	(pc) =	sbr.rel $0x88, $3  }
0x1: {  	(tag) =	ssettag $0x0;
	lr =	simm.s32 $0x1  }
0x2: {  	[smem:$0x3F97] =	sst lr;
	_ =	strace $0xD0000000  }
0x3: {  	_ = 	snop  }
0x4: {  	_ = 	snop  }
0x5: {  	_ = 	snop  }
0x6: {  	_ = 	snop  }
0x7: {  	_ = 	snop  }
__scs_overlays_trampoline_lowered:
0x8: {  	[smem:$0x3FA6] =	sst s0  }
0x9: {  	[smem:$0x3FA7] =	sst s1  }
0xa: {  	[smem:$0x3FA8] =	sst s2  }
0xb: {  	[smem:$0x3FA9] =	sst s3  }
0xc: {  	[smem:$0x3FAA] =	sst s4  }
0xd: {  	[smem:$0x3FAB] =	sst s5  }
0xe: {  	[smem:$0x3FAC] =	sst s6  }
0xf: {  	[smem:$0x3FAD] =	sst s7  }
0x10: {  	[smem:$0x3FAE] =	sst s8  }
0x11: {  	[smem:$0x3FAF] =	sst s9;
	s0 =	simm.s32 @!p0 $0x0  }
0x12: {  	s1 =	sld [smem:$0x3F95];
	s0 =	simm.s32 @p0 $0x1  }
0x13: {  	[smem:$0x3FB0] =	sst s0;
	s0 =	simm.s32 @!p1 $0x0  }
0x14: {  	s2 =	sld [smem:$0x3F94];
	s0 =	simm.s32 @p1 $0x1  }
0x15: {  	[smem:$0x3FB1] =	sst s0;
	s0 =	simm.s32 @!p2 $0x0  }
0x16: {  	s3 =	sld [smem:$0x3FDB];
	s0 =	simm.s32 @p2 $0x1  }
0x17: {  	s4 =	simm.s32 $0x1BF5;
	[smem:$0x3FB3] =	sst s0  }
0x18: {  	s0 =	sld [smem:$0x3F96];
	_ =	swait.ge [sflag:s4], $0x0  }
0x19: {  	s7 =	sld [smem:$0x3F97]  }
0x1a: {  	s8 =	sadd.s32 $0xFFFFE003, lr  }
0x1b: {  	s9 =	sadd.s32 $0xFFFFFEF7, lr;
	s5 =	simm.s32 $0xFFFFFFFF;
	p2 =	slt.u32 s8, $0xFFFFF086  }
0x1c: {  	p1 =	slt.u32 s9, $0xF7A;
	s5 =	simm.s32 @!p2 $0x0  }
0x1d: {  	s5 =	simm.s32 @p1 $0x1;
	p0 =	seq.s32 s7, s2  }
0x1e: {  	s7 =	smul.u32 @!p0 $0xF7A, s2;
	p2 =	seq.s32 @!p0 s5, $0x0  }
0x1f: {  	s9 =	smul.u32 $0xF7A, s1;
	s8 =	simm.s32 @!p0 $0x1BF5;
	p2 =	por !p2, p0  }
0x20: {  	[sflag:s8] =	ssyncset.s32 @!p0 $0xFFFFF086;
	s6 =	sadd.s32 @!p0 s3, s7;
	s7 =	simm.s32 @!p0 $0x108  }
0x21: {  	s3 =	sadd.s32 s3, s9;
	s6 =	sadd.s32 @!p0 $0x88, s6;
	s7 =	simm.s32 @p2 $0x1082  }
0x22: {  	[simem:s7], [sflag:s8] =	dma.local @!p0 [hbm:s6], $0xF7A  }
0x23: {  	s9 =	sor.u32 $0xD0000000, s2;
	s6 =	simm.s32 $0x108;
	_ =	swait.ge @!p0 [sflag:s8], $0x0  }
0x24: {  	s3 =	sadd.s32 $0x88, s3;
	s6 =	simm.s32 @!p1 $0x1082;
	[sflag:s4] =	ssyncset.s32 $0xFFFFF086  }
0x25: {  	[simem:s6], [sflag:s4] =	dma.local [hbm:s3], $0xF7A  }
0x26: {  	[smem:$0x3F97] =	sst s1;
	(tag) =	ssettag s2;
	_ =	strace s9  }
0x27: {  	s1 =	sld [smem:$0x3FA7]  }
0x28: {  	s2 =	sld [smem:$0x3FA8]  }
0x29: {  	s4 =	sld [smem:$0x3FAA]  }
0x2a: {  	p0 =	seq.s32 s5, $0x0;
	s5 =	sld [smem:$0x3FAB]  }
0x2b: {  	s6 =	sld [smem:$0x3FAC]  }
0x2c: {  	s7 =	sld [smem:$0x3FAD]  }
0x2d: {  	s3 =	simm.s32 $0x108;
	s8 =	sld [smem:$0x3FAE]  }
0x2e: {  	s3 =	simm.s32 @!p0 $0x1082;
	s9 =	sld [smem:$0x3FAF]  }
0x2f: {  	lr =	sadd.s32 s0, s3;
	s0 =	sld [smem:$0x3FA6]  }
0x30: {  	s3 =	sld [smem:$0x3FA9]  }
0x31: {  	[smem:$0x3FB2] =	sst s10  }
0x32: {  	s10 =	sld [smem:$0x3FB0];
	_ =	sdelay $0x3  }
0x33: {  	p0 =	seq.s32 s10, $0x1;
	s10 =	sld [smem:$0x3FB2];
	_ =	sdelay $0x3  }
0x34: {  	[smem:$0x3FB2] =	sst s10  }
0x35: {  	s10 =	sld [smem:$0x3FB1];
	_ =	sdelay $0x3  }
0x36: {  	p1 =	seq.s32 s10, $0x1;
	s10 =	sld [smem:$0x3FB2];
	_ =	sdelay $0x3  }
0x37: {  	[smem:$0x3FB2] =	sst s10  }
0x38: {  	s10 =	sld [smem:$0x3FB3]  }
0x39: {  	_ = 	snop;
	(pc) =	sbr.ind lr, $3  }
0x3a: {  	_ = 	snop  }
0x3b: {  	_ = 	snop  }
0x3c: {  	p2 =	seq.s32 s10, $0x1;
	s10 =	sld [smem:$0x3FB2]  }
0x3d: {  	_ =	shalt  }
0x3e: {  	_ =	shalt  }
0x3f: {  	_ =	shalt  }
0x40: {  	_ =	shalt  }
0x41: {  	_ =	shalt  }
0x42: {  	_ =	shalt  }
0x43: {  	_ =	shalt  }
0x44: {  	_ =	shalt  }
0x45: {  	_ =	shalt  }
0x46: {  	_ =	shalt  }
0x47: {  	_ =	shalt  }
0x48: {  	_ =	shalt  }
0x49: {  	_ =	shalt  }
0x4a: {  	_ =	shalt  }
0x4b: {  	_ =	shalt  }
0x4c: {  	_ =	shalt  }
0x4d: {  	_ =	shalt  }
0x4e: {  	_ =	shalt  }
0x4f: {  	_ =	shalt  }
0x50: {  	_ =	shalt  }
0x51: {  	_ =	shalt  }
0x52: {  	_ =	shalt  }
0x53: {  	_ =	shalt  }
0x54: {  	_ =	shalt  }
0x55: {  	_ =	shalt  }
0x56: {  	_ =	shalt  }
0x57: {  	_ =	shalt  }
0x58: {  	_ =	shalt  }
0x59: {  	_ =	shalt  }
0x5a: {  	_ =	shalt  }
0x5b: {  	_ =	shalt  }
0x5c: {  	_ =	shalt  }
0x5d: {  	_ =	shalt  }
0x5e: {  	_ =	shalt  }
0x5f: {  	_ =	shalt  }
0x60: {  	_ =	shalt  }
0x61: {  	_ =	shalt  }
0x62: {  	_ =	shalt  }
0x63: {  	_ =	shalt  }
0x64: {  	_ =	shalt  }
0x65: {  	_ =	shalt  }
0x66: {  	_ =	shalt  }
0x67: {  	_ =	shalt  }
0x68: {  	_ =	shalt  }
0x69: {  	_ =	shalt  }
0x6a: {  	_ =	shalt  }
0x6b: {  	_ =	shalt  }
0x6c: {  	_ =	shalt  }
0x6d: {  	_ =	shalt  }
0x6e: {  	_ =	shalt  }
0x6f: {  	_ =	shalt  }
0x70: {  	_ =	shalt  }
0x71: {  	_ =	shalt  }
0x72: {  	_ =	shalt  }
0x73: {  	_ =	shalt  }
0x74: {  	_ =	shalt  }
0x75: {  	_ =	shalt  }
0x76: {  	_ =	shalt  }
0x77: {  	_ =	shalt  }
0x78: {  	_ =	shalt  }
0x79: {  	_ =	shalt  }
0x7a: {  	_ =	shalt  }
0x7b: {  	_ =	shalt  }
0x7c: {  	_ =	shalt  }
0x7d: {  	_ =	shalt  }
0x7e: {  	_ =	shalt  }
0x7f: {  	_ =	shalt  }
0x80: {  	_ =	shalt  }
0x81: {  	_ =	shalt  }
0x82: {  	_ =	shalt  }
0x83: {  	_ =	shalt  }
0x84: {  	_ =	shalt  }
0x85: {  	_ =	shalt  }
0x86: {  	_ =	shalt  }
0x87: {  	_ =	shalt  }
.Lfunc_end0:
.L_simem_size_0:
called_computation.2_lowered:
.L_overlay_start_0:
0x88: {  	s2 =	sld [smem:$0x3FD9]  }
0x89: {  	s3 =	sld [smem:$0x3FFE];
	_ =	sdelay $0x1  }
0x8a: {  	s1 =	srdreg.scid  }
0x8b: {  	s0 =	sand.u32 $0x1, s1  }
0x8c: {  	s16 =	sshll.u32 s0, $0xA;
	s2 =	sadd.s32 s3, s2  }
0x8d: {  	s2 =	sadd.s32 s2, s16  }
0x8e: {  	[smem:$0x3FBE] =	sst s2  }
0x8f: {  	_ = 	snop  }
0x90: {  	(tm) =	ssettm $0x1  }
0x91: {  	s17 =	sld [smem:$0x3FFB];
	_ =	sdelay $0x3  }
0x92: {  	_ =	strace s17  }
0x93: {  	s2 =	sld [smem:$0x3FFC];
	_ =	sdelay $0x3  }
0x94: {  	_ =	strace s2  }
0x95: {  	s2 =	sld [smem:$0x3FFD];
	_ =	sdelay $0x3  }
0x96: {  	_ =	strace s2  }
0x97: {  	_ =	strace $0x8FFFFFFF  }
0x98: {  	s18 =	sld [smem:$0x3FDB];
	_ =	sdelay $0x1  }
0x99: {  	s19 =	simm.s32 $_scs_section_size  }
0x9a: {  	s4 =	simm.s32 $_size__tile_overlayer_lowered;
	s5 =	simm.s32 $_tile_overlayer_lowered  }
0x9b: {  	s22 =	simm.s32 $0x1BFF;
	s21 =	sshll.u32 s5, $0x1;
	s2 =	sadd.s32 s19, s18  }
0x9c: {  	s6 =	simm.s32 $0x0;
	s20 =	sshll.u32 s4, $0x1;
	s4 =	sadd.s32 s21, s2  }
0x9d: {  	[timem:s6], [sflag:s22] =	dma.local [hbm:s4], s20  }
0x9e: {  	_ =	swait.ge [sflag:s22], s20  }
0x9f: {  	s3 =	ssub.s32 $0x0, s20;
	[sflag:s22] =	ssyncset.done $0x0  }
0xa0: {  	[sflag:s22] =	ssyncadd.s32 s3;
	_ =	sdelay $0x1  }
0xa1: {  	s23 =	simm.s32 $0x1B8B  }
0xa2: {  	_ =	swait.ge [sflag:s23], $0x1  }
0xa3: {  	[sflag:s23] =	ssyncset.done $0x0  }
0xa4: {  	s25 =	simm.s32 $0x1B8E;
	s24 =	sld [smem:$0x3FFE];
	[sflag:s23] =	ssyncadd.s32 $0xFFFFFFFF  }
0xa5: {  	s26 =	simm.s32 $execute0_lowered;
	[smem:$0x3FD2] =	sst s25  }
0xa6: {  	s4 =	sshll.u32 s26, $0x1;
	_ =	strace $0x8000004C;
	[dreg:$0x1] =	wrdreg $0xFFFFFFFF  }
0xa7: {  	s28 =	simm.s32 $_size_execute0_lowered;
	s2 =	sadd.s32 s2, s4;
	[dreg:$0x0] =	wrdreg $0x0  }
0xa8: {  	s4 =	sshll.u32 s28, $0x1;
	[dreg:$0x2] =	wrdreg s2  }
0xa9: {  	[dreg:$0x3] =	wrdreg s4  }
0xaa: {  	[dreg:$0x4] =	wrdreg $0xC0  }
0xab: {  	_ =	task [dreg:s6], $0x5FFFF  }
0xac: {  	[dreg:$0x1] =	wrdreg $0xFFFFFFFF  }
0xad: {  	[dreg:$0x0] =	wrdreg $0x60  }
0xae: {  	[dreg:$0x2] =	wrdreg s24  }
0xaf: {  	[dreg:$0x3] =	wrdreg $0x50000  }
0xb0: {  	[dreg:$0x4] =	wrdreg $0x9  }
0xb1: {  	_ =	task.clear_ibuf [dreg:s6], $0x5FFFF;
	_ =	strace $0x9000004C  }
0xb2: {  	s29 =	simm.s32 $0x9;
	_ =	strace $0x8000004E  }
0xb3: {  	_ =	swait.ge [sflag:s29], $0x1  }
0xb4: {  	[sflag:s29] =	ssyncadd.s32 $0xFFFFFFFF  }
0xb5: {  	_ =	strace $0x9000004E  }
0xb6: {  	_ =	sfence  }
0xb7: {  	s30 =	sld [smem:$0x0];
	_ =	sdelay $0x2  }
0xb8: {  	s31 =	sshll.u32 s1, $0xD;
	s1 =	sshrl.u32 s1, $0x2  }
0xb9: {  	s3 =	sand.u32 $0x4000, s31;
	s1 =	sadd.s32 s1, s30  }
0xba: {  	s0 =	sor.u32 s3, s0;
	s1 =	sshll.u32 s1, $0x11  }
0xbb: {  	s0 =	sor.u32 s1, s0  }
0xbc: {  	s0 =	sadd.s32 $0x8F2B, s0  }
0xbd: {  	[sflag:s0] =	ssyncadd.remote.s32 $0x1  }
0xbe: {  	_ =	sfence.sel $0xFFFF  }
0xbf: {  	[dreg:$0x0] =	wrdreg $0xFFFFFFFF;
	(pc) =	sbr.abs _section_cstart, $3  }
0xc0: {  	[dreg:$0x1] =	wrdreg $0xFFFFFFFF  }
0xc1: {  	_ =	task.clear_ibuf [dreg:s6], $0x2FFFF;
	_ =	strace $0x9FFFFFFF  }
0xc2: {  	(tm) =	ssettm $0x7FFFFFFF  }
0xc3: {  	_ =	shalt  }
tec
execute0_lowered:
.L_overlay_start_1:
0x0: {  	(tag) =	ssettag $0x1  }
0x1: {  	s1 =	srdreg.scid  }
0x2: {  	s0 =	stileid.u32;
	s7 =	rddreg [dreg:$0x0]  }
0x3: {  	s2 =	rddreg [dreg:$0x1];
	s3 =	simm.s32 $0x0;
	s14 =	simm.s32 $0x80  }
0x4: {  	s15 =	simm.s32 $0x18C00;
	s16 =	simm.s32 $0x2;
	s17 =	simm.s32 $0x0  }
0x5: {  	s6 =	sand.u32 $0x1, s1;
	s26 =	sshll.u32 s0, $0x1;
	s9 =	smul.u32 $0x13C00, s0  }
0x6: {  	[smem:$0x7FF] =	sst s3;
	s4 =	sadd.s32 $0x1A000, s7;
	s28 =	smul.u32 $0x4F000, s0  }
0x7: {  	s31 =	sshll.u32 s0, $0x6;
	s1 =	sor.u32 s6, s26;
	s8 =	smul.u32 $0x13C000, s6  }
0x8: {  	s6 =	ssub.s32 $0x2, s6;
	s5 =	smul.u32 $0x500, s1;
	s1 =	rddreg [dreg:$0x2]  }
0x9: {  	_ =	strace $0x8000004D;
	s29 =	sshrl.u32 s6, $0x1;
	s30 =	sshrl.u32 s28, $0x2  }
0xa: {  	s8 =	sadd.s32 s9, s8;
	s12 =	ssub.s32 s6, s29;
	s13 =	sadd.s32 s30, s2  }
0xb: {  	s6 =	sor.u32 $0x1C01, s31;
	s10 =	sadd.s32 s5, s7;
	s8 =	sshrl.u32 s8, $0x3  }
0xc: {  	s5 =	sadd.s32 $0x17800, s7;
	s11 =	sadd.s32 s8, s7;
	s7 =	sadd.s32 $0xD800, s10  }
0xd: {  	s8 =	sadd.s32 $0x3800, s10;
	s10 =	smax.u32 s12, $0x1;
	s12 =	simm.s32 $0x1  }
0xe: {  	s9 =	sadd.s32 $0x41200, s11;
	s11 =	sshrl.u32 s13, $0x3;
	s13 =	simm.s32 $0x2800  }
.LBB2_1:
0xf: {  	[spmem:s11], [sflag:s6] =	dma.local [hbm:s5], $0x2780  }
0x10: {  	_ =	swait.ge [sflag:s12], $0x2780  }
0x11: {  	[sflag:s12] =	ssyncset.done $0x0  }
0x12: {  	[sflag:s12] =	ssyncadd.s32 $0xFFFFD880  }
0x13: {  	[tilespmem:s3], [sflag:$0x1] =	stream.linear.gather [hbm4b:s7+s3], $0x2780, $0x38;
	[tilespmem:$0x1CC00] =	vst v63  }
0x14: {  	_ =	swait.ge [sflag:s12], $0x2780  }
0x15: {  	[sflag:s12] =	ssyncset.done $0x0  }
0x16: {  	[sflag:s12] =	ssyncadd.s32 $0xFFFFD880  }
0x17: {  	[tilespmem:s13], [sflag:$0x1] =	stream.linear.gather [hbm4b:s8+s3], $0x2780, $0x38;
	[tilespmem:$0x1CC00] =	vst v63  }
0x18: {  	_ =	swait.ge [sflag:s12], $0x2780  }
0x19: {  	[sflag:s12] =	ssyncset.done $0x0  }
0x1a: {  	[sflag:s12] =	ssyncadd.s32 $0xFFFFD880  }
0x1b: {  	s18 =	simm.s32 $0x0;
	[bflag:$0x0] =	sbarrier.arrive $0xFFFF  }
0x1c: {  	[tilespmem:s15], [sflag:$0x1] =	stream.indirect.gather [hbm4b:s4+s14], $0x80, s18, s14, $0xb8;
	[tilespmem:$0x1CC00] =	vst v63  }
0x1d: {  	_ =	swait.ge [sflag:s12], $0x4000  }
0x1e: {  	[sflag:s12] =	ssyncset.done $0x0  }
0x1f: {  	s24 =	simm.s32 $0x2800;
	[sflag:s12] =	ssyncadd.s32 $0xFFFFC000  }
0x20: {  	[spmem:s2] =	stream.indirect.scatter.add.f32 [tilespmem:s15], [sflag:$0x2], $0x80, s24, s14, $0xb8;
	[tilespmem:$0x1CC00] =	vst v63  }
0x21: {  	_ =	swait.ge [sflag:s16], $0x4000  }
0x22: {  	[sflag:s16] =	ssyncset.done $0x0  }
0x23: {  	s25 =	simm.s32 $0x80;
	[sflag:s16] =	ssyncadd.s32 $0xFFFFC000  }
0x24: {  	[tilespmem:s15], [sflag:$0x1] =	stream.indirect.gather [hbm4b:s4+s14], $0x80, s25, s14, $0xb8;
	[tilespmem:$0x1CC00] =	vst v63  }
0x25: {  	_ =	swait.ge [sflag:s12], $0x4000  }
0x26: {  	[sflag:s12] =	ssyncset.done $0x0  }
0x27: {  	s26 =	simm.s32 $0x2880;
	[sflag:s12] =	ssyncadd.s32 $0xFFFFC000  }
0x28: {  	[spmem:s2] =	stream.indirect.scatter.add.f32 [tilespmem:s15], [sflag:$0x2], $0x80, s26, s14, $0xb8;
	[tilespmem:$0x1CC00] =	vst v63  }
0x29: {  	_ =	swait.ge [sflag:s16], $0x4000  }
0x2a: {  	[sflag:s16] =	ssyncset.done $0x0  }
0x2b: {  	s28 =	simm.s32 $0x100;
	[sflag:s16] =	ssyncadd.s32 $0xFFFFC000  }
0x2c: {  	[tilespmem:s15], [sflag:$0x1] =	stream.indirect.gather [hbm4b:s4+s14], $0x80, s28, s14, $0xb8;
	[tilespmem:$0x1CC00] =	vst v63  }
0x2d: {  	_ =	swait.ge [sflag:s12], $0x4000  }
0x2e: {  	[sflag:s12] =	ssyncset.done $0x0  }
0x2f: {  	s29 =	simm.s32 $0x2900;
	[sflag:s12] =	ssyncadd.s32 $0xFFFFC000  }
0x30: {  	[spmem:s2] =	stream.indirect.scatter.add.f32 [tilespmem:s15], [sflag:$0x2], $0x80, s29, s14, $0xb8;
	[tilespmem:$0x1CC00] =	vst v63  }
0x31: {  	_ =	swait.ge [sflag:s16], $0x4000  }
0x32: {  	[sflag:s16] =	ssyncset.done $0x0  }
0x33: {  	s30 =	simm.s32 $0x180;
	[sflag:s16] =	ssyncadd.s32 $0xFFFFC000  }
0x34: {  	[tilespmem:s15], [sflag:$0x1] =	stream.indirect.gather [hbm4b:s4+s14], $0x80, s30, s14, $0xb8;
	[tilespmem:$0x1CC00] =	vst v63  }
0x35: {  	_ =	swait.ge [sflag:s12], $0x4000  }
0x36: {  	[sflag:s12] =	ssyncset.done $0x0  }
0x37: {  	s31 =	simm.s32 $0x2980;
	[sflag:s12] =	ssyncadd.s32 $0xFFFFC000  }
0x38: {  	[spmem:s2] =	stream.indirect.scatter.add.f32 [tilespmem:s15], [sflag:$0x2], $0x80, s31, s14, $0xb8;
	[tilespmem:$0x1CC00] =	vst v63  }
0x39: {  	_ =	swait.ge [sflag:s16], $0x4000  }
0x3a: {  	s19 =	simm.s32 $0x800;
	s18 =	simm.s32 $0x0;
	[sflag:s16] =	ssyncset.done $0x0  }
.LBB2_2:
0x3b: {  	s20 =	sshra.s32 s19, $0x2;
	[sflag:s16] =	ssyncadd.s32 $0xFFFFC000  }
0x3c: {  	[tilespmem:s15], [sflag:$0x1] =	stream.indirect.gather [hbm4b:s4+s14], $0x80, s20, s14, $0xb8;
	[tilespmem:$0x1CC00] =	vst v63  }
0x3d: {  	_ =	swait.ge [sflag:s12], $0x4000  }
0x3e: {  	[sflag:s12] =	ssyncset.done $0x0  }
0x3f: {  	s21 =	sadd.s32 $0x2800, s20;
	[sflag:s12] =	ssyncadd.s32 $0xFFFFC000  }
0x40: {  	[spmem:s2] =	stream.indirect.scatter.add.f32 [tilespmem:s15], [sflag:$0x2], $0x80, s21, s14, $0xb8;
	[tilespmem:$0x1CC00] =	vst v63  }
0x41: {  	_ =	swait.ge [sflag:s16], $0x4000  }
0x42: {  	[sflag:s16] =	ssyncset.done $0x0  }
0x43: {  	s21 =	sadd.s32 $0x80, s20;
	[sflag:s16] =	ssyncadd.s32 $0xFFFFC000  }
0x44: {  	[tilespmem:s15], [sflag:$0x1] =	stream.indirect.gather [hbm4b:s4+s14], $0x80, s21, s14, $0xb8;
	[tilespmem:$0x1CC00] =	vst v63  }
0x45: {  	_ =	swait.ge [sflag:s12], $0x4000  }
0x46: {  	[sflag:s12] =	ssyncset.done $0x0  }
0x47: {  	s21 =	sadd.s32 $0x2880, s20;
	[sflag:s12] =	ssyncadd.s32 $0xFFFFC000  }
0x48: {  	[spmem:s2] =	stream.indirect.scatter.add.f32 [tilespmem:s15], [sflag:$0x2], $0x80, s21, s14, $0xb8;
	[tilespmem:$0x1CC00] =	vst v63  }
0x49: {  	_ =	swait.ge [sflag:s16], $0x4000  }
0x4a: {  	s18 =	sadd.s32 $0x4, s18;
	[sflag:s16] =	ssyncset.done $0x0  }
0x4b: {  	p0 =	slt.u32 s18, $0x48;
	s21 =	sadd.s32 $0x100, s20;
	[sflag:s16] =	ssyncadd.s32 $0xFFFFC000  }
0x4c: {  	[tilespmem:s15], [sflag:$0x1] =	stream.indirect.gather [hbm4b:s4+s14], $0x80, s21, s14, $0xb8;
	[tilespmem:$0x1CC00] =	vst v63  }
0x4d: {  	_ =	swait.ge [sflag:s12], $0x4000  }
0x4e: {  	[sflag:s12] =	ssyncset.done $0x0  }
0x4f: {  	s21 =	sadd.s32 $0x2900, s20;
	[sflag:s12] =	ssyncadd.s32 $0xFFFFC000  }
0x50: {  	[spmem:s2] =	stream.indirect.scatter.add.f32 [tilespmem:s15], [sflag:$0x2], $0x80, s21, s14, $0xb8;
	[tilespmem:$0x1CC00] =	vst v63  }
0x51: {  	_ =	swait.ge [sflag:s16], $0x4000  }
0x52: {  	[sflag:s16] =	ssyncset.done $0x0  }
0x53: {  	s21 =	sadd.s32 $0x180, s20;
	[sflag:s16] =	ssyncadd.s32 $0xFFFFC000  }
0x54: {  	[tilespmem:s15], [sflag:$0x1] =	stream.indirect.gather [hbm4b:s4+s14], $0x80, s21, s14, $0xb8;
	[tilespmem:$0x1CC00] =	vst v63  }
0x55: {  	_ =	swait.ge [sflag:s12], $0x4000  }
.Ltmp0:
0x56: {  	[sflag:s12] =	ssyncset.done $0x0;
	(pc) =	sbr.rel @p0 .LBB2_2-.Ltmp0, $4  }
0x57: {  	s20 =	sadd.s32 $0x2980, s20;
	[sflag:s12] =	ssyncadd.s32 $0xFFFFC000  }
0x58: {  	[spmem:s2] =	stream.indirect.scatter.add.f32 [tilespmem:s15], [sflag:$0x2], $0x80, s20, s14, $0xb8;
	[tilespmem:$0x1CC00] =	vst v63  }
0x59: {  	_ =	swait.ge [sflag:s16], $0x4000  }
0x5a: {  	s19 =	sadd.s32 $0x800, s19;
	[sflag:s16] =	ssyncset.done $0x0  }
0x5b: {  	[sflag:s16] =	ssyncadd.s32 $0xFFFFC000;
	s18 =	simm.s32 $0x0  }
.LBB2_4:
0x5c: {  	s19 =	sshra.s32 s18, $0x2  }
0x5d: {  	s20 =	sadd.s32 $0x2600, s19  }
0x5e: {  	[tilespmem:s15], [sflag:$0x1] =	stream.indirect.gather [hbm4b:s4+s14], $0x80, s20, s14, $0xb8;
	[tilespmem:$0x1CC00] =	vst v63  }
0x5f: {  	_ =	swait.ge [sflag:s12], $0x4000  }
0x60: {  	p0 =	sne.s32 s18, $0x400;
	[sflag:s12] =	ssyncset.done $0x0  }
.Ltmp1:
0x61: {  	s19 =	sadd.s32 $0x4E00, s19;
	[sflag:s12] =	ssyncadd.s32 $0xFFFFC000;
	(pc) =	sbr.rel @p0 .LBB2_4-.Ltmp1, $4  }
0x62: {  	[spmem:s2] =	stream.indirect.scatter.add.f32 [tilespmem:s15], [sflag:$0x2], $0x80, s19, s14, $0xb8;
	[tilespmem:$0x1CC00] =	vst v63  }
0x63: {  	_ =	swait.ge [sflag:s16], $0x4000  }
0x64: {  	[sflag:s16] =	ssyncset.done $0x0  }
0x65: {  	s18 =	sadd.s32 $0x200, s18;
	[sflag:s16] =	ssyncadd.s32 $0xFFFFC000  }
0x66: {  	s17 =	sadd.s32 $0x1, s17  }
0x67: {  	p0 =	sne.s32 s17, s10  }
.Ltmp2:
0x68: {  	[bflag:$0x0] =	sbarrier.arrive $0xFFFF;
	(pc) =	sbr.rel @p0 .LBB2_1-.Ltmp2, $4  }
0x69: {  	[hbm:s9], [sflag:s6] =	dma.local [spmem:s11], $0x2780  }
0x6a: {  	_ =	swait.ge [sflag:s12], $0x2780  }
0x6b: {  	[sflag:s12] =	ssyncset.done $0x0  }
0x6c: {  	[sflag:s12] =	ssyncadd.s32 $0xFFFFD880  }
0x6d: {  	_ =	sfence.sel $0x180000  }
0x6e: {  	[bflag:$0x0] =	sbarrier.arrive $0xFFFF  }
0x6f: {  	p0 =	sne.s32 s0, $0x0;
	_ =	strace $0x9000004D  }
0x70: {  	s0 =	sadd.s32 @!p0 $0x100000, s1;
	[bflag:$0x2] =	sbarrier.arrive $0xFFFF  }
0x71: {  	[sflag:s0] =	ssyncadd.tile.s32 @!p0 $0x1;
	_ =	shalt  }
.Lfunc_end2:
_tile_overlayer_lowered:
.L_overlay_start_2:
0x72: {  	(tag) =	ssettag $0x2  }
0x73: {  	s0 =	rddreg [dreg:$0x0];
	s2 =	stileid.u32  }
0x74: {  	s1 =	rddreg [dreg:$0x1];
	p0 =	sne.s32 s2, $0x0  }
0x75: {  	s3 =	rddreg [dreg:$0x2];
	[bflag:$0x3] =	sbarrier.arrive $0xFFFF;
	s2 =	simm.s32 @!p0 $0x1C01  }
0x76: {  	[timem:s3], [sflag:s2] =	dma.local @!p0 [hbm:s0], s1  }
0x77: {  	s0 =	simm.s32 @!p0 $0x1  }
0x78: {  	_ =	swait.ge @!p0 [sflag:s0], s1  }
0x79: {  	s1 =	ssub.s32 @!p0 $0x0, s1;
	[sflag:s0] =	ssyncset.done @!p0 $0x0  }
0x7a: {  	[sflag:s0] =	ssyncadd.s32 @!p0 s1  }
0x7b: {  	[bflag:$0x3] =	sbarrier.arrive $0xFFFF  }
0x7c: {  	_ =	shalt  }

// kernel: kernel.18.cloned.1.call-start
scs
__scs_entry_jumppad:
0x0: {  	(pc) =	sbr.rel $0x88, $3  }
0x1: {  	(tag) =	ssettag $0x0;
	lr =	simm.s32 $0x1  }
0x2: {  	[smem:$0x3F97] =	sst lr;
	_ =	strace $0xD0000000  }
0x3: {  	_ = 	snop  }
0x4: {  	_ = 	snop  }
0x5: {  	_ = 	snop  }
0x6: {  	_ = 	snop  }
0x7: {  	_ = 	snop  }
__scs_overlays_trampoline_lowered:
0x8: {  	[smem:$0x3FA6] =	sst s0  }
0x9: {  	[smem:$0x3FA7] =	sst s1  }
0xa: {  	[smem:$0x3FA8] =	sst s2  }
0xb: {  	[smem:$0x3FA9] =	sst s3  }
0xc: {  	[smem:$0x3FAA] =	sst s4  }
0xd: {  	[smem:$0x3FAB] =	sst s5  }
0xe: {  	[smem:$0x3FAC] =	sst s6  }
0xf: {  	[smem:$0x3FAD] =	sst s7  }
0x10: {  	[smem:$0x3FAE] =	sst s8  }
0x11: {  	[smem:$0x3FAF] =	sst s9;
	s0 =	simm.s32 @!p0 $0x0  }
0x12: {  	s1 =	sld [smem:$0x3F95];
	s0 =	simm.s32 @p0 $0x1  }
0x13: {  	[smem:$0x3FB0] =	sst s0;
	s0 =	simm.s32 @!p1 $0x0  }
0x14: {  	s2 =	sld [smem:$0x3F94];
	s0 =	simm.s32 @p1 $0x1  }
0x15: {  	[smem:$0x3FB1] =	sst s0;
	s0 =	simm.s32 @!p2 $0x0  }
0x16: {  	s3 =	sld [smem:$0x3FDB];
	s0 =	simm.s32 @p2 $0x1  }
0x17: {  	s4 =	simm.s32 $0x1BF5;
	[smem:$0x3FB3] =	sst s0  }
0x18: {  	s0 =	sld [smem:$0x3F96];
	_ =	swait.ge [sflag:s4], $0x0  }
0x19: {  	s7 =	sld [smem:$0x3F97]  }
0x1a: {  	s8 =	sadd.s32 $0xFFFFE003, lr  }
0x1b: {  	s9 =	sadd.s32 $0xFFFFFEF7, lr;
	s5 =	simm.s32 $0xFFFFFFFF;
	p2 =	slt.u32 s8, $0xFFFFF086  }
0x1c: {  	p1 =	slt.u32 s9, $0xF7A;
	s5 =	simm.s32 @!p2 $0x0  }
0x1d: {  	s5 =	simm.s32 @p1 $0x1;
	p0 =	seq.s32 s7, s2  }
0x1e: {  	s7 =	smul.u32 @!p0 $0xF7A, s2;
	p2 =	seq.s32 @!p0 s5, $0x0  }
0x1f: {  	s9 =	smul.u32 $0xF7A, s1;
	s8 =	simm.s32 @!p0 $0x1BF5;
	p2 =	por !p2, p0  }
0x20: {  	[sflag:s8] =	ssyncset.s32 @!p0 $0xFFFFF086;
	s6 =	sadd.s32 @!p0 s3, s7;
	s7 =	simm.s32 @!p0 $0x108  }
0x21: {  	s3 =	sadd.s32 s3, s9;
	s6 =	sadd.s32 @!p0 $0x88, s6;
	s7 =	simm.s32 @p2 $0x1082  }
0x22: {  	[simem:s7], [sflag:s8] =	dma.local @!p0 [hbm:s6], $0xF7A  }
0x23: {  	s9 =	sor.u32 $0xD0000000, s2;
	s6 =	simm.s32 $0x108;
	_ =	swait.ge @!p0 [sflag:s8], $0x0  }
0x24: {  	s3 =	sadd.s32 $0x88, s3;
	s6 =	simm.s32 @!p1 $0x1082;
	[sflag:s4] =	ssyncset.s32 $0xFFFFF086  }
0x25: {  	[simem:s6], [sflag:s4] =	dma.local [hbm:s3], $0xF7A  }
0x26: {  	[smem:$0x3F97] =	sst s1;
	(tag) =	ssettag s2;
	_ =	strace s9  }
0x27: {  	s1 =	sld [smem:$0x3FA7]  }
0x28: {  	s2 =	sld [smem:$0x3FA8]  }
0x29: {  	s4 =	sld [smem:$0x3FAA]  }
0x2a: {  	p0 =	seq.s32 s5, $0x0;
	s5 =	sld [smem:$0x3FAB]  }
0x2b: {  	s6 =	sld [smem:$0x3FAC]  }
0x2c: {  	s7 =	sld [smem:$0x3FAD]  }
0x2d: {  	s3 =	simm.s32 $0x108;
	s8 =	sld [smem:$0x3FAE]  }
0x2e: {  	s3 =	simm.s32 @!p0 $0x1082;
	s9 =	sld [smem:$0x3FAF]  }
0x2f: {  	lr =	sadd.s32 s0, s3;
	s0 =	sld [smem:$0x3FA6]  }
0x30: {  	s3 =	sld [smem:$0x3FA9]  }
0x31: {  	[smem:$0x3FB2] =	sst s10  }
0x32: {  	s10 =	sld [smem:$0x3FB0];
	_ =	sdelay $0x3  }
0x33: {  	p0 =	seq.s32 s10, $0x1;
	s10 =	sld [smem:$0x3FB2];
	_ =	sdelay $0x3  }
0x34: {  	[smem:$0x3FB2] =	sst s10  }
0x35: {  	s10 =	sld [smem:$0x3FB1];
	_ =	sdelay $0x3  }
0x36: {  	p1 =	seq.s32 s10, $0x1;
	s10 =	sld [smem:$0x3FB2];
	_ =	sdelay $0x3  }
0x37: {  	[smem:$0x3FB2] =	sst s10  }
0x38: {  	s10 =	sld [smem:$0x3FB3]  }
0x39: {  	_ = 	snop;
	(pc) =	sbr.ind lr, $3  }
0x3a: {  	_ = 	snop  }
0x3b: {  	_ = 	snop  }
0x3c: {  	p2 =	seq.s32 s10, $0x1;
	s10 =	sld [smem:$0x3FB2]  }
0x3d: {  	_ =	shalt  }
0x3e: {  	_ =	shalt  }
0x3f: {  	_ =	shalt  }
0x40: {  	_ =	shalt  }
0x41: {  	_ =	shalt  }
0x42: {  	_ =	shalt  }
0x43: {  	_ =	shalt  }
0x44: {  	_ =	shalt  }
0x45: {  	_ =	shalt  }
0x46: {  	_ =	shalt  }
0x47: {  	_ =	shalt  }
0x48: {  	_ =	shalt  }
0x49: {  	_ =	shalt  }
0x4a: {  	_ =	shalt  }
0x4b: {  	_ =	shalt  }
0x4c: {  	_ =	shalt  }
0x4d: {  	_ =	shalt  }
0x4e: {  	_ =	shalt  }
0x4f: {  	_ =	shalt  }
0x50: {  	_ =	shalt  }
0x51: {  	_ =	shalt  }
0x52: {  	_ =	shalt  }
0x53: {  	_ =	shalt  }
0x54: {  	_ =	shalt  }
0x55: {  	_ =	shalt  }
0x56: {  	_ =	shalt  }
0x57: {  	_ =	shalt  }
0x58: {  	_ =	shalt  }
0x59: {  	_ =	shalt  }
0x5a: {  	_ =	shalt  }
0x5b: {  	_ =	shalt  }
0x5c: {  	_ =	shalt  }
0x5d: {  	_ =	shalt  }
0x5e: {  	_ =	shalt  }
0x5f: {  	_ =	shalt  }
0x60: {  	_ =	shalt  }
0x61: {  	_ =	shalt  }
0x62: {  	_ =	shalt  }
0x63: {  	_ =	shalt  }
0x64: {  	_ =	shalt  }
0x65: {  	_ =	shalt  }
0x66: {  	_ =	shalt  }
0x67: {  	_ =	shalt  }
0x68: {  	_ =	shalt  }
0x69: {  	_ =	shalt  }
0x6a: {  	_ =	shalt  }
0x6b: {  	_ =	shalt  }
0x6c: {  	_ =	shalt  }
0x6d: {  	_ =	shalt  }
0x6e: {  	_ =	shalt  }
0x6f: {  	_ =	shalt  }
0x70: {  	_ =	shalt  }
0x71: {  	_ =	shalt  }
0x72: {  	_ =	shalt  }
0x73: {  	_ =	shalt  }
0x74: {  	_ =	shalt  }
0x75: {  	_ =	shalt  }
0x76: {  	_ =	shalt  }
0x77: {  	_ =	shalt  }
0x78: {  	_ =	shalt  }
0x79: {  	_ =	shalt  }
0x7a: {  	_ =	shalt  }
0x7b: {  	_ =	shalt  }
0x7c: {  	_ =	shalt  }
0x7d: {  	_ =	shalt  }
0x7e: {  	_ =	shalt  }
0x7f: {  	_ =	shalt  }
0x80: {  	_ =	shalt  }
0x81: {  	_ =	shalt  }
0x82: {  	_ =	shalt  }
0x83: {  	_ =	shalt  }
0x84: {  	_ =	shalt  }
0x85: {  	_ =	shalt  }
0x86: {  	_ =	shalt  }
0x87: {  	_ =	shalt  }
.Lfunc_end0:
.L_simem_size_0:
called_computation.3_lowered:
.L_overlay_start_0:
0x88: {  	s2 =	sld [smem:$0x3FD9]  }
0x89: {  	s3 =	sld [smem:$0x3FFE];
	_ =	sdelay $0x1  }
0x8a: {  	s1 =	srdreg.scid  }
0x8b: {  	s0 =	sand.u32 $0x1, s1  }
0x8c: {  	s16 =	sshll.u32 s0, $0xA;
	s2 =	sadd.s32 s3, s2  }
0x8d: {  	s2 =	sadd.s32 s2, s16  }
0x8e: {  	[smem:$0x3FBE] =	sst s2  }
0x8f: {  	_ = 	snop  }
0x90: {  	(tm) =	ssettm $0x1  }
0x91: {  	s17 =	sld [smem:$0x3FFB];
	_ =	sdelay $0x3  }
0x92: {  	_ =	strace s17  }
0x93: {  	s2 =	sld [smem:$0x3FFC];
	_ =	sdelay $0x3  }
0x94: {  	_ =	strace s2  }
0x95: {  	s2 =	sld [smem:$0x3FFD];
	_ =	sdelay $0x3  }
0x96: {  	_ =	strace s2  }
0x97: {  	_ =	strace $0x8FFFFFFF  }
0x98: {  	s18 =	sld [smem:$0x3FDB];
	_ =	sdelay $0x1  }
0x99: {  	s19 =	simm.s32 $_scs_section_size  }
0x9a: {  	s4 =	simm.s32 $_size__tile_overlayer_lowered;
	s5 =	simm.s32 $_tile_overlayer_lowered  }
0x9b: {  	s22 =	simm.s32 $0x1BFF;
	s21 =	sshll.u32 s5, $0x1;
	s2 =	sadd.s32 s19, s18  }
0x9c: {  	s6 =	simm.s32 $0x0;
	s20 =	sshll.u32 s4, $0x1;
	s4 =	sadd.s32 s21, s2  }
0x9d: {  	[timem:s6], [sflag:s22] =	dma.local [hbm:s4], s20  }
0x9e: {  	_ =	swait.ge [sflag:s22], s20  }
0x9f: {  	s3 =	ssub.s32 $0x0, s20;
	[sflag:s22] =	ssyncset.done $0x0  }
0xa0: {  	[sflag:s22] =	ssyncadd.s32 s3;
	_ =	sdelay $0x1  }
0xa1: {  	s23 =	simm.s32 $0x1B8B  }
0xa2: {  	_ =	swait.ge [sflag:s23], $0x1  }
0xa3: {  	[sflag:s23] =	ssyncset.done $0x0  }
0xa4: {  	s25 =	simm.s32 $0x1B8E;
	s24 =	sld [smem:$0x3FFE];
	[sflag:s23] =	ssyncadd.s32 $0xFFFFFFFF  }
0xa5: {  	s26 =	simm.s32 $execute0_lowered;
	[smem:$0x3FD2] =	sst s25  }
0xa6: {  	s4 =	sshll.u32 s26, $0x1;
	_ =	strace $0x8000004F;
	[dreg:$0x1] =	wrdreg $0xFFFFFFFF  }
0xa7: {  	s28 =	simm.s32 $_size_execute0_lowered;
	s2 =	sadd.s32 s2, s4;
	[dreg:$0x0] =	wrdreg $0x0  }
0xa8: {  	s4 =	sshll.u32 s28, $0x1;
	[dreg:$0x2] =	wrdreg s2  }
0xa9: {  	[dreg:$0x3] =	wrdreg s4  }
0xaa: {  	[dreg:$0x4] =	wrdreg $0xC0  }
0xab: {  	_ =	task [dreg:s6], $0x5FFFF  }
0xac: {  	[dreg:$0x1] =	wrdreg $0xFFFFFFFF  }
0xad: {  	[dreg:$0x0] =	wrdreg $0x60  }
0xae: {  	[dreg:$0x2] =	wrdreg s24  }
0xaf: {  	[dreg:$0x3] =	wrdreg $0x50000  }
0xb0: {  	[dreg:$0x4] =	wrdreg $0x9  }
0xb1: {  	_ =	task.clear_ibuf [dreg:s6], $0x5FFFF;
	_ =	strace $0x9000004F  }
0xb2: {  	s29 =	simm.s32 $0x9;
	_ =	strace $0x80000051  }
0xb3: {  	_ =	swait.ge [sflag:s29], $0x1  }
0xb4: {  	[sflag:s29] =	ssyncadd.s32 $0xFFFFFFFF  }
0xb5: {  	_ =	strace $0x90000051  }
0xb6: {  	_ =	sfence  }
0xb7: {  	s30 =	sld [smem:$0x0];
	_ =	sdelay $0x2  }
0xb8: {  	s31 =	sshll.u32 s1, $0xD;
	s1 =	sshrl.u32 s1, $0x2  }
0xb9: {  	s3 =	sand.u32 $0x4000, s31;
	s1 =	sadd.s32 s1, s30  }
0xba: {  	s0 =	sor.u32 s3, s0;
	s1 =	sshll.u32 s1, $0x11  }
0xbb: {  	s0 =	sor.u32 s1, s0  }
0xbc: {  	s0 =	sadd.s32 $0x8F2B, s0  }
0xbd: {  	[sflag:s0] =	ssyncadd.remote.s32 $0x1  }
0xbe: {  	_ =	sfence.sel $0xFFFF  }
0xbf: {  	[dreg:$0x0] =	wrdreg $0xFFFFFFFF;
	(pc) =	sbr.abs _section_cstart, $3  }
0xc0: {  	[dreg:$0x1] =	wrdreg $0xFFFFFFFF  }
0xc1: {  	_ =	task.clear_ibuf [dreg:s6], $0x2FFFF;
	_ =	strace $0x9FFFFFFF  }
0xc2: {  	(tm) =	ssettm $0x7FFFFFFF  }
0xc3: {  	_ =	shalt  }
tec
execute0_lowered:
.L_overlay_start_1:
0x0: {  	(tag) =	ssettag $0x1  }
0x1: {  	s1 =	srdreg.scid  }
0x2: {  	s0 =	stileid.u32;
	s7 =	rddreg [dreg:$0x0]  }
0x3: {  	s2 =	rddreg [dreg:$0x1];
	s3 =	simm.s32 $0x0;
	s14 =	simm.s32 $0x80  }
0x4: {  	s15 =	simm.s32 $0x18C00;
	s16 =	simm.s32 $0x2;
	s17 =	simm.s32 $0x0  }
0x5: {  	s6 =	sand.u32 $0x1, s1;
	s26 =	sshll.u32 s0, $0x1;
	s9 =	smul.u32 $0x13C00, s0  }
0x6: {  	[smem:$0x7FF] =	sst s3;
	s4 =	sadd.s32 $0x1A000, s7;
	s28 =	smul.u32 $0x4F000, s0  }
0x7: {  	s31 =	sshll.u32 s0, $0x6;
	s1 =	sor.u32 s6, s26;
	s8 =	smul.u32 $0x13C000, s6  }
0x8: {  	s6 =	ssub.s32 $0x2, s6;
	s5 =	smul.u32 $0x500, s1;
	s1 =	rddreg [dreg:$0x2]  }
0x9: {  	_ =	strace $0x80000050;
	s29 =	sshrl.u32 s6, $0x1;
	s30 =	sshrl.u32 s28, $0x2  }
0xa: {  	s8 =	sadd.s32 s9, s8;
	s12 =	ssub.s32 s6, s29;
	s13 =	sadd.s32 s30, s2  }
0xb: {  	s6 =	sor.u32 $0x1C01, s31;
	s10 =	sadd.s32 s5, s7;
	s8 =	sshrl.u32 s8, $0x3  }
0xc: {  	s5 =	sadd.s32 $0x17800, s7;
	s11 =	sadd.s32 s8, s7;
	s7 =	sadd.s32 $0xD800, s10  }
0xd: {  	s8 =	sadd.s32 $0x3800, s10;
	s10 =	smax.u32 s12, $0x1;
	s12 =	simm.s32 $0x1  }
0xe: {  	s9 =	sadd.s32 $0x41200, s11;
	s11 =	sshrl.u32 s13, $0x3;
	s13 =	simm.s32 $0x2800  }
.LBB2_1:
0xf: {  	[spmem:s11], [sflag:s6] =	dma.local [hbm:s5], $0x2780  }
0x10: {  	_ =	swait.ge [sflag:s12], $0x2780  }
0x11: {  	[sflag:s12] =	ssyncset.done $0x0  }
0x12: {  	[sflag:s12] =	ssyncadd.s32 $0xFFFFD880  }
0x13: {  	[tilespmem:s3], [sflag:$0x1] =	stream.linear.gather [hbm4b:s7+s3], $0x2780, $0x38;
	[tilespmem:$0x1CC00] =	vst v63  }
0x14: {  	_ =	swait.ge [sflag:s12], $0x2780  }
0x15: {  	[sflag:s12] =	ssyncset.done $0x0  }
0x16: {  	[sflag:s12] =	ssyncadd.s32 $0xFFFFD880  }
0x17: {  	[tilespmem:s13], [sflag:$0x1] =	stream.linear.gather [hbm4b:s8+s3], $0x2780, $0x38;
	[tilespmem:$0x1CC00] =	vst v63  }
0x18: {  	_ =	swait.ge [sflag:s12], $0x2780  }
0x19: {  	[sflag:s12] =	ssyncset.done $0x0  }
0x1a: {  	[sflag:s12] =	ssyncadd.s32 $0xFFFFD880  }
0x1b: {  	s18 =	simm.s32 $0x0;
	[bflag:$0x0] =	sbarrier.arrive $0xFFFF  }
0x1c: {  	[tilespmem:s15], [sflag:$0x1] =	stream.indirect.gather [hbm4b:s4+s14], $0x80, s18, s14, $0xb8;
	[tilespmem:$0x1CC00] =	vst v63  }
0x1d: {  	_ =	swait.ge [sflag:s12], $0x4000  }
0x1e: {  	[sflag:s12] =	ssyncset.done $0x0  }
0x1f: {  	s24 =	simm.s32 $0x2800;
	[sflag:s12] =	ssyncadd.s32 $0xFFFFC000  }
0x20: {  	[spmem:s2] =	stream.indirect.scatter.add.f32 [tilespmem:s15], [sflag:$0x2], $0x80, s24, s14, $0xb8;
	[tilespmem:$0x1CC00] =	vst v63  }
0x21: {  	_ =	swait.ge [sflag:s16], $0x4000  }
0x22: {  	[sflag:s16] =	ssyncset.done $0x0  }
0x23: {  	s25 =	simm.s32 $0x80;
	[sflag:s16] =	ssyncadd.s32 $0xFFFFC000  }
0x24: {  	[tilespmem:s15], [sflag:$0x1] =	stream.indirect.gather [hbm4b:s4+s14], $0x80, s25, s14, $0xb8;
	[tilespmem:$0x1CC00] =	vst v63  }
0x25: {  	_ =	swait.ge [sflag:s12], $0x4000  }
0x26: {  	[sflag:s12] =	ssyncset.done $0x0  }
0x27: {  	s26 =	simm.s32 $0x2880;
	[sflag:s12] =	ssyncadd.s32 $0xFFFFC000  }
0x28: {  	[spmem:s2] =	stream.indirect.scatter.add.f32 [tilespmem:s15], [sflag:$0x2], $0x80, s26, s14, $0xb8;
	[tilespmem:$0x1CC00] =	vst v63  }
0x29: {  	_ =	swait.ge [sflag:s16], $0x4000  }
0x2a: {  	[sflag:s16] =	ssyncset.done $0x0  }
0x2b: {  	s28 =	simm.s32 $0x100;
	[sflag:s16] =	ssyncadd.s32 $0xFFFFC000  }
0x2c: {  	[tilespmem:s15], [sflag:$0x1] =	stream.indirect.gather [hbm4b:s4+s14], $0x80, s28, s14, $0xb8;
	[tilespmem:$0x1CC00] =	vst v63  }
0x2d: {  	_ =	swait.ge [sflag:s12], $0x4000  }
0x2e: {  	[sflag:s12] =	ssyncset.done $0x0  }
0x2f: {  	s29 =	simm.s32 $0x2900;
	[sflag:s12] =	ssyncadd.s32 $0xFFFFC000  }
0x30: {  	[spmem:s2] =	stream.indirect.scatter.add.f32 [tilespmem:s15], [sflag:$0x2], $0x80, s29, s14, $0xb8;
	[tilespmem:$0x1CC00] =	vst v63  }
0x31: {  	_ =	swait.ge [sflag:s16], $0x4000  }
0x32: {  	[sflag:s16] =	ssyncset.done $0x0  }
0x33: {  	s30 =	simm.s32 $0x180;
	[sflag:s16] =	ssyncadd.s32 $0xFFFFC000  }
0x34: {  	[tilespmem:s15], [sflag:$0x1] =	stream.indirect.gather [hbm4b:s4+s14], $0x80, s30, s14, $0xb8;
	[tilespmem:$0x1CC00] =	vst v63  }
0x35: {  	_ =	swait.ge [sflag:s12], $0x4000  }
0x36: {  	[sflag:s12] =	ssyncset.done $0x0  }
0x37: {  	s31 =	simm.s32 $0x2980;
	[sflag:s12] =	ssyncadd.s32 $0xFFFFC000  }
0x38: {  	[spmem:s2] =	stream.indirect.scatter.add.f32 [tilespmem:s15], [sflag:$0x2], $0x80, s31, s14, $0xb8;
	[tilespmem:$0x1CC00] =	vst v63  }
0x39: {  	_ =	swait.ge [sflag:s16], $0x4000  }
0x3a: {  	s19 =	simm.s32 $0x800;
	s18 =	simm.s32 $0x0;
	[sflag:s16] =	ssyncset.done $0x0  }
.LBB2_2:
0x3b: {  	s20 =	sshra.s32 s19, $0x2;
	[sflag:s16] =	ssyncadd.s32 $0xFFFFC000  }
0x3c: {  	[tilespmem:s15], [sflag:$0x1] =	stream.indirect.gather [hbm4b:s4+s14], $0x80, s20, s14, $0xb8;
	[tilespmem:$0x1CC00] =	vst v63  }
0x3d: {  	_ =	swait.ge [sflag:s12], $0x4000  }
0x3e: {  	[sflag:s12] =	ssyncset.done $0x0  }
0x3f: {  	s21 =	sadd.s32 $0x2800, s20;
	[sflag:s12] =	ssyncadd.s32 $0xFFFFC000  }
0x40: {  	[spmem:s2] =	stream.indirect.scatter.add.f32 [tilespmem:s15], [sflag:$0x2], $0x80, s21, s14, $0xb8;
	[tilespmem:$0x1CC00] =	vst v63  }
0x41: {  	_ =	swait.ge [sflag:s16], $0x4000  }
0x42: {  	[sflag:s16] =	ssyncset.done $0x0  }
0x43: {  	s21 =	sadd.s32 $0x80, s20;
	[sflag:s16] =	ssyncadd.s32 $0xFFFFC000  }
0x44: {  	[tilespmem:s15], [sflag:$0x1] =	stream.indirect.gather [hbm4b:s4+s14], $0x80, s21, s14, $0xb8;
	[tilespmem:$0x1CC00] =	vst v63  }
0x45: {  	_ =	swait.ge [sflag:s12], $0x4000  }
0x46: {  	[sflag:s12] =	ssyncset.done $0x0  }
0x47: {  	s21 =	sadd.s32 $0x2880, s20;
	[sflag:s12] =	ssyncadd.s32 $0xFFFFC000  }
0x48: {  	[spmem:s2] =	stream.indirect.scatter.add.f32 [tilespmem:s15], [sflag:$0x2], $0x80, s21, s14, $0xb8;
	[tilespmem:$0x1CC00] =	vst v63  }
0x49: {  	_ =	swait.ge [sflag:s16], $0x4000  }
0x4a: {  	s18 =	sadd.s32 $0x4, s18;
	[sflag:s16] =	ssyncset.done $0x0  }
0x4b: {  	p0 =	slt.u32 s18, $0x48;
	s21 =	sadd.s32 $0x100, s20;
	[sflag:s16] =	ssyncadd.s32 $0xFFFFC000  }
0x4c: {  	[tilespmem:s15], [sflag:$0x1] =	stream.indirect.gather [hbm4b:s4+s14], $0x80, s21, s14, $0xb8;
	[tilespmem:$0x1CC00] =	vst v63  }
0x4d: {  	_ =	swait.ge [sflag:s12], $0x4000  }
0x4e: {  	[sflag:s12] =	ssyncset.done $0x0  }
0x4f: {  	s21 =	sadd.s32 $0x2900, s20;
	[sflag:s12] =	ssyncadd.s32 $0xFFFFC000  }
0x50: {  	[spmem:s2] =	stream.indirect.scatter.add.f32 [tilespmem:s15], [sflag:$0x2], $0x80, s21, s14, $0xb8;
	[tilespmem:$0x1CC00] =	vst v63  }
0x51: {  	_ =	swait.ge [sflag:s16], $0x4000  }
0x52: {  	[sflag:s16] =	ssyncset.done $0x0  }
0x53: {  	s21 =	sadd.s32 $0x180, s20;
	[sflag:s16] =	ssyncadd.s32 $0xFFFFC000  }
0x54: {  	[tilespmem:s15], [sflag:$0x1] =	stream.indirect.gather [hbm4b:s4+s14], $0x80, s21, s14, $0xb8;
	[tilespmem:$0x1CC00] =	vst v63  }
0x55: {  	_ =	swait.ge [sflag:s12], $0x4000  }
.Ltmp0:
0x56: {  	[sflag:s12] =	ssyncset.done $0x0;
	(pc) =	sbr.rel @p0 .LBB2_2-.Ltmp0, $4  }
0x57: {  	s20 =	sadd.s32 $0x2980, s20;
	[sflag:s12] =	ssyncadd.s32 $0xFFFFC000  }
0x58: {  	[spmem:s2] =	stream.indirect.scatter.add.f32 [tilespmem:s15], [sflag:$0x2], $0x80, s20, s14, $0xb8;
	[tilespmem:$0x1CC00] =	vst v63  }
0x59: {  	_ =	swait.ge [sflag:s16], $0x4000  }
0x5a: {  	s19 =	sadd.s32 $0x800, s19;
	[sflag:s16] =	ssyncset.done $0x0  }
0x5b: {  	[sflag:s16] =	ssyncadd.s32 $0xFFFFC000;
	s18 =	simm.s32 $0x0  }
.LBB2_4:
0x5c: {  	s19 =	sshra.s32 s18, $0x2  }
0x5d: {  	s20 =	sadd.s32 $0x2600, s19  }
0x5e: {  	[tilespmem:s15], [sflag:$0x1] =	stream.indirect.gather [hbm4b:s4+s14], $0x80, s20, s14, $0xb8;
	[tilespmem:$0x1CC00] =	vst v63  }
0x5f: {  	_ =	swait.ge [sflag:s12], $0x4000  }
0x60: {  	p0 =	sne.s32 s18, $0x400;
	[sflag:s12] =	ssyncset.done $0x0  }
.Ltmp1:
0x61: {  	s19 =	sadd.s32 $0x4E00, s19;
	[sflag:s12] =	ssyncadd.s32 $0xFFFFC000;
	(pc) =	sbr.rel @p0 .LBB2_4-.Ltmp1, $4  }
0x62: {  	[spmem:s2] =	stream.indirect.scatter.add.f32 [tilespmem:s15], [sflag:$0x2], $0x80, s19, s14, $0xb8;
	[tilespmem:$0x1CC00] =	vst v63  }
0x63: {  	_ =	swait.ge [sflag:s16], $0x4000  }
0x64: {  	[sflag:s16] =	ssyncset.done $0x0  }
0x65: {  	s18 =	sadd.s32 $0x200, s18;
	[sflag:s16] =	ssyncadd.s32 $0xFFFFC000  }
0x66: {  	s17 =	sadd.s32 $0x1, s17  }
0x67: {  	p0 =	sne.s32 s17, s10  }
.Ltmp2:
0x68: {  	[bflag:$0x0] =	sbarrier.arrive $0xFFFF;
	(pc) =	sbr.rel @p0 .LBB2_1-.Ltmp2, $4  }
0x69: {  	[hbm:s9], [sflag:s6] =	dma.local [spmem:s11], $0x2780  }
0x6a: {  	_ =	swait.ge [sflag:s12], $0x2780  }
0x6b: {  	[sflag:s12] =	ssyncset.done $0x0  }
0x6c: {  	[sflag:s12] =	ssyncadd.s32 $0xFFFFD880  }
0x6d: {  	_ =	sfence.sel $0x180000  }
0x6e: {  	[bflag:$0x0] =	sbarrier.arrive $0xFFFF  }
0x6f: {  	p0 =	sne.s32 s0, $0x0;
	_ =	strace $0x90000050  }
0x70: {  	s0 =	sadd.s32 @!p0 $0x100000, s1;
	[bflag:$0x2] =	sbarrier.arrive $0xFFFF  }
0x71: {  	[sflag:s0] =	ssyncadd.tile.s32 @!p0 $0x1;
	_ =	shalt  }
.Lfunc_end2:
_tile_overlayer_lowered:
.L_overlay_start_2:
0x72: {  	(tag) =	ssettag $0x2  }
0x73: {  	s0 =	rddreg [dreg:$0x0];
	s2 =	stileid.u32  }
0x74: {  	s1 =	rddreg [dreg:$0x1];
	p0 =	sne.s32 s2, $0x0  }
0x75: {  	s3 =	rddreg [dreg:$0x2];
	[bflag:$0x3] =	sbarrier.arrive $0xFFFF;
	s2 =	simm.s32 @!p0 $0x1C01  }
0x76: {  	[timem:s3], [sflag:s2] =	dma.local @!p0 [hbm:s0], s1  }
0x77: {  	s0 =	simm.s32 @!p0 $0x1  }
0x78: {  	_ =	swait.ge @!p0 [sflag:s0], s1  }
0x79: {  	s1 =	ssub.s32 @!p0 $0x0, s1;
	[sflag:s0] =	ssyncset.done @!p0 $0x0  }
0x7a: {  	[sflag:s0] =	ssyncadd.s32 @!p0 s1  }
0x7b: {  	[bflag:$0x3] =	sbarrier.arrive $0xFFFF  }
0x7c: {  	_ =	shalt  }

// kernel: kernel.9.cloned.1.call-start
scs
__scs_entry_jumppad:
0x0: {  	(pc) =	sbr.rel $0x88, $3  }
0x1: {  	(tag) =	ssettag $0x0;
	lr =	simm.s32 $0x1  }
0x2: {  	[smem:$0x3F97] =	sst lr;
	_ =	strace $0xD0000000  }
0x3: {  	_ = 	snop  }
0x4: {  	_ = 	snop  }
0x5: {  	_ = 	snop  }
0x6: {  	_ = 	snop  }
0x7: {  	_ = 	snop  }
__scs_overlays_trampoline_lowered:
0x8: {  	[smem:$0x3FA6] =	sst s0  }
0x9: {  	[smem:$0x3FA7] =	sst s1  }
0xa: {  	[smem:$0x3FA8] =	sst s2  }
0xb: {  	[smem:$0x3FA9] =	sst s3  }
0xc: {  	[smem:$0x3FAA] =	sst s4  }
0xd: {  	[smem:$0x3FAB] =	sst s5  }
0xe: {  	[smem:$0x3FAC] =	sst s6  }
0xf: {  	[smem:$0x3FAD] =	sst s7  }
0x10: {  	[smem:$0x3FAE] =	sst s8  }
0x11: {  	[smem:$0x3FAF] =	sst s9;
	s0 =	simm.s32 @!p0 $0x0  }
0x12: {  	s1 =	sld [smem:$0x3F95];
	s0 =	simm.s32 @p0 $0x1  }
0x13: {  	[smem:$0x3FB0] =	sst s0;
	s0 =	simm.s32 @!p1 $0x0  }
0x14: {  	s2 =	sld [smem:$0x3F94];
	s0 =	simm.s32 @p1 $0x1  }
0x15: {  	[smem:$0x3FB1] =	sst s0;
	s0 =	simm.s32 @!p2 $0x0  }
0x16: {  	s3 =	sld [smem:$0x3FDB];
	s0 =	simm.s32 @p2 $0x1  }
0x17: {  	s4 =	simm.s32 $0x1BF5;
	[smem:$0x3FB3] =	sst s0  }
0x18: {  	s0 =	sld [smem:$0x3F96];
	_ =	swait.ge [sflag:s4], $0x0  }
0x19: {  	s7 =	sld [smem:$0x3F97]  }
0x1a: {  	s8 =	sadd.s32 $0xFFFFE003, lr  }
0x1b: {  	s9 =	sadd.s32 $0xFFFFFEF7, lr;
	s5 =	simm.s32 $0xFFFFFFFF;
	p2 =	slt.u32 s8, $0xFFFFF086  }
0x1c: {  	p1 =	slt.u32 s9, $0xF7A;
	s5 =	simm.s32 @!p2 $0x0  }
0x1d: {  	s5 =	simm.s32 @p1 $0x1;
	p0 =	seq.s32 s7, s2  }
0x1e: {  	s7 =	smul.u32 @!p0 $0xF7A, s2;
	p2 =	seq.s32 @!p0 s5, $0x0  }
0x1f: {  	s9 =	smul.u32 $0xF7A, s1;
	s8 =	simm.s32 @!p0 $0x1BF5;
	p2 =	por !p2, p0  }
0x20: {  	[sflag:s8] =	ssyncset.s32 @!p0 $0xFFFFF086;
	s6 =	sadd.s32 @!p0 s3, s7;
	s7 =	simm.s32 @!p0 $0x108  }
0x21: {  	s3 =	sadd.s32 s3, s9;
	s6 =	sadd.s32 @!p0 $0x88, s6;
	s7 =	simm.s32 @p2 $0x1082  }
0x22: {  	[simem:s7], [sflag:s8] =	dma.local @!p0 [hbm:s6], $0xF7A  }
0x23: {  	s9 =	sor.u32 $0xD0000000, s2;
	s6 =	simm.s32 $0x108;
	_ =	swait.ge @!p0 [sflag:s8], $0x0  }
0x24: {  	s3 =	sadd.s32 $0x88, s3;
	s6 =	simm.s32 @!p1 $0x1082;
	[sflag:s4] =	ssyncset.s32 $0xFFFFF086  }
0x25: {  	[simem:s6], [sflag:s4] =	dma.local [hbm:s3], $0xF7A  }
0x26: {  	[smem:$0x3F97] =	sst s1;
	(tag) =	ssettag s2;
	_ =	strace s9  }
0x27: {  	s1 =	sld [smem:$0x3FA7]  }
0x28: {  	s2 =	sld [smem:$0x3FA8]  }
0x29: {  	s4 =	sld [smem:$0x3FAA]  }
0x2a: {  	p0 =	seq.s32 s5, $0x0;
	s5 =	sld [smem:$0x3FAB]  }
0x2b: {  	s6 =	sld [smem:$0x3FAC]  }
0x2c: {  	s7 =	sld [smem:$0x3FAD]  }
0x2d: {  	s3 =	simm.s32 $0x108;
	s8 =	sld [smem:$0x3FAE]  }
0x2e: {  	s3 =	simm.s32 @!p0 $0x1082;
	s9 =	sld [smem:$0x3FAF]  }
0x2f: {  	lr =	sadd.s32 s0, s3;
	s0 =	sld [smem:$0x3FA6]  }
0x30: {  	s3 =	sld [smem:$0x3FA9]  }
0x31: {  	[smem:$0x3FB2] =	sst s10  }
0x32: {  	s10 =	sld [smem:$0x3FB0];
	_ =	sdelay $0x3  }
0x33: {  	p0 =	seq.s32 s10, $0x1;
	s10 =	sld [smem:$0x3FB2];
	_ =	sdelay $0x3  }
0x34: {  	[smem:$0x3FB2] =	sst s10  }
0x35: {  	s10 =	sld [smem:$0x3FB1];
	_ =	sdelay $0x3  }
0x36: {  	p1 =	seq.s32 s10, $0x1;
	s10 =	sld [smem:$0x3FB2];
	_ =	sdelay $0x3  }
0x37: {  	[smem:$0x3FB2] =	sst s10  }
0x38: {  	s10 =	sld [smem:$0x3FB3]  }
0x39: {  	_ = 	snop;
	(pc) =	sbr.ind lr, $3  }
0x3a: {  	_ = 	snop  }
0x3b: {  	_ = 	snop  }
0x3c: {  	p2 =	seq.s32 s10, $0x1;
	s10 =	sld [smem:$0x3FB2]  }
0x3d: {  	_ =	shalt  }
0x3e: {  	_ =	shalt  }
0x3f: {  	_ =	shalt  }
0x40: {  	_ =	shalt  }
0x41: {  	_ =	shalt  }
0x42: {  	_ =	shalt  }
0x43: {  	_ =	shalt  }
0x44: {  	_ =	shalt  }
0x45: {  	_ =	shalt  }
0x46: {  	_ =	shalt  }
0x47: {  	_ =	shalt  }
0x48: {  	_ =	shalt  }
0x49: {  	_ =	shalt  }
0x4a: {  	_ =	shalt  }
0x4b: {  	_ =	shalt  }
0x4c: {  	_ =	shalt  }
0x4d: {  	_ =	shalt  }
0x4e: {  	_ =	shalt  }
0x4f: {  	_ =	shalt  }
0x50: {  	_ =	shalt  }
0x51: {  	_ =	shalt  }
0x52: {  	_ =	shalt  }
0x53: {  	_ =	shalt  }
0x54: {  	_ =	shalt  }
0x55: {  	_ =	shalt  }
0x56: {  	_ =	shalt  }
0x57: {  	_ =	shalt  }
0x58: {  	_ =	shalt  }
0x59: {  	_ =	shalt  }
0x5a: {  	_ =	shalt  }
0x5b: {  	_ =	shalt  }
0x5c: {  	_ =	shalt  }
0x5d: {  	_ =	shalt  }
0x5e: {  	_ =	shalt  }
0x5f: {  	_ =	shalt  }
0x60: {  	_ =	shalt  }
0x61: {  	_ =	shalt  }
0x62: {  	_ =	shalt  }
0x63: {  	_ =	shalt  }
0x64: {  	_ =	shalt  }
0x65: {  	_ =	shalt  }
0x66: {  	_ =	shalt  }
0x67: {  	_ =	shalt  }
0x68: {  	_ =	shalt  }
0x69: {  	_ =	shalt  }
0x6a: {  	_ =	shalt  }
0x6b: {  	_ =	shalt  }
0x6c: {  	_ =	shalt  }
0x6d: {  	_ =	shalt  }
0x6e: {  	_ =	shalt  }
0x6f: {  	_ =	shalt  }
0x70: {  	_ =	shalt  }
0x71: {  	_ =	shalt  }
0x72: {  	_ =	shalt  }
0x73: {  	_ =	shalt  }
0x74: {  	_ =	shalt  }
0x75: {  	_ =	shalt  }
0x76: {  	_ =	shalt  }
0x77: {  	_ =	shalt  }
0x78: {  	_ =	shalt  }
0x79: {  	_ =	shalt  }
0x7a: {  	_ =	shalt  }
0x7b: {  	_ =	shalt  }
0x7c: {  	_ =	shalt  }
0x7d: {  	_ =	shalt  }
0x7e: {  	_ =	shalt  }
0x7f: {  	_ =	shalt  }
0x80: {  	_ =	shalt  }
0x81: {  	_ =	shalt  }
0x82: {  	_ =	shalt  }
0x83: {  	_ =	shalt  }
0x84: {  	_ =	shalt  }
0x85: {  	_ =	shalt  }
0x86: {  	_ =	shalt  }
0x87: {  	_ =	shalt  }
.Lfunc_end0:
.L_simem_size_0:
called_computation_lowered:
.L_overlay_start_0:
0x88: {  	s2 =	sld [smem:$0x3FD9]  }
0x89: {  	s3 =	sld [smem:$0x3FFE];
	_ =	sdelay $0x1  }
0x8a: {  	s1 =	srdreg.scid  }
0x8b: {  	s0 =	sand.u32 $0x1, s1  }
0x8c: {  	s17 =	sshll.u32 s0, $0xA;
	s2 =	sadd.s32 s3, s2  }
0x8d: {  	s2 =	sadd.s32 s2, s17  }
0x8e: {  	[smem:$0x3FBE] =	sst s2  }
0x8f: {  	_ = 	snop  }
0x90: {  	(tm) =	ssettm $0x1  }
0x91: {  	s18 =	sld [smem:$0x3FFB];
	_ =	sdelay $0x3  }
0x92: {  	_ =	strace s18  }
0x93: {  	s2 =	sld [smem:$0x3FFC];
	_ =	sdelay $0x3  }
0x94: {  	_ =	strace s2  }
0x95: {  	s2 =	sld [smem:$0x3FFD];
	_ =	sdelay $0x3  }
0x96: {  	_ =	strace s2  }
0x97: {  	_ =	strace $0x8FFFFFFF  }
0x98: {  	s19 =	sld [smem:$0x3FDB];
	_ =	sdelay $0x1  }
0x99: {  	s20 =	simm.s32 $_scs_section_size  }
0x9a: {  	s4 =	simm.s32 $_size__tile_overlayer_lowered;
	s5 =	simm.s32 $_tile_overlayer_lowered  }
0x9b: {  	s6 =	simm.s32 $0x1BFF;
	s21 =	sshll.u32 s5, $0x1;
	s3 =	sadd.s32 s20, s19  }
0x9c: {  	s22 =	simm.s32 $0x0;
	s4 =	sshll.u32 s4, $0x1;
	s5 =	sadd.s32 s21, s3  }
0x9d: {  	[timem:s22], [sflag:s6] =	dma.local [hbm:s5], s4  }
0x9e: {  	_ =	swait.ge [sflag:s6], s4  }
0x9f: {  	s4 =	ssub.s32 $0x0, s4;
	[sflag:s6] =	ssyncset.done $0x0  }
0xa0: {  	[sflag:s6] =	ssyncadd.s32 s4;
	_ =	sdelay $0x1  }
0xa1: {  	s23 =	simm.s32 $0x1B8B  }
0xa2: {  	_ =	swait.ge [sflag:s23], $0x1  }
0xa3: {  	[sflag:s23] =	ssyncset.done $0x0  }
0xa4: {  	[sflag:s23] =	ssyncadd.s32 $0xFFFFFFFF  }
0xa5: {  	s4 =	sld [smem:$0x0]  }
0xa6: {  	s5 =	sand.u32 $0xFFFFFFFE, s1  }
0xa7: {  	p0 =	sne.s32 s1, s5  }
0xa8: {  	s5 =	sshll.u32 @p0 s5, $0xE  }
0xa9: {  	s5 =	sadd.s32 @p0 $0x11B8D, s5;
	s6 =	sshll.u32 @p0 s4, $0x11  }
0xaa: {  	s5 =	sor.u32 @p0 s6, s5  }
0xab: {  	[sflag:s5] =	ssyncadd.remote.s32 @p0 $0x1;
	_ =	sdelay $0x1  }
0xac: {  	s5 =	simm.s32 @p0 $0x1B8D  }
0xad: {  	_ =	swait.eq @p0 [sflag:s5], $0x1  }
0xae: {  	[sflag:s5] =	ssyncadd.s32 @p0 $0xFFFFFFFF  }
0xaf: {  	s6 =	sshll.u32 @!p0 s1, $0xE  }
0xb0: {  	s6 =	sor.u32 @!p0 $0x4000, s6;
	s5 =	simm.s32 @!p0 $0x1B8D  }
0xb1: {  	s4 =	sshll.u32 @!p0 s4, $0x11;
	s6 =	sadd.s32 @!p0 $0x11B8D, s6;
	_ =	swait.eq @!p0 [sflag:s5], $0x1  }
0xb2: {  	s4 =	sor.u32 @!p0 s4, s6;
	[sflag:s5] =	ssyncadd.s32 @!p0 $0xFFFFFFFF  }
0xb3: {  	s25 =	simm.s32 $0x1B8E;
	s24 =	sld [smem:$0x3FFE];
	[sflag:s4] =	ssyncadd.remote.s32 @!p0 $0x1  }
0xb4: {  	s26 =	simm.s32 $execute0_lowered;
	[smem:$0x3FD2] =	sst s25  }
0xb5: {  	s5 =	sshll.u32 s26, $0x1;
	_ =	strace $0x80000049;
	[dreg:$0x1] =	wrdreg $0xFFFFFFFF  }
0xb6: {  	s28 =	simm.s32 $_size_execute0_lowered;
	s3 =	sadd.s32 s3, s5;
	[dreg:$0x0] =	wrdreg $0x0  }
0xb7: {  	s5 =	sshll.u32 s28, $0x1;
	[dreg:$0x2] =	wrdreg s3  }
0xb8: {  	[dreg:$0x3] =	wrdreg s5  }
0xb9: {  	[dreg:$0x4] =	wrdreg $0xC0  }
0xba: {  	_ =	task [dreg:s22], $0x5FFFF  }
0xbb: {  	[dreg:$0x1] =	wrdreg $0xFFFFFFFF  }
0xbc: {  	[dreg:$0x0] =	wrdreg $0x60  }
0xbd: {  	[dreg:$0x2] =	wrdreg s24  }
0xbe: {  	[dreg:$0x3] =	wrdreg $0x68000  }
0xbf: {  	[dreg:$0x4] =	wrdreg $0x9  }
0xc0: {  	_ =	task.clear_ibuf [dreg:s22], $0x5FFFF;
	_ =	strace $0x90000049  }
0xc1: {  	s29 =	simm.s32 $0x9;
	_ =	strace $0x8000004B  }
0xc2: {  	_ =	swait.ge [sflag:s29], $0x1  }
0xc3: {  	[sflag:s29] =	ssyncadd.s32 $0xFFFFFFFF  }
0xc4: {  	_ =	strace $0x9000004B  }
0xc5: {  	_ =	sfence  }
0xc6: {  	s30 =	sld [smem:$0x0];
	_ =	sdelay $0x2  }
0xc7: {  	s31 =	sshll.u32 s1, $0xD;
	s1 =	sshrl.u32 s1, $0x2  }
0xc8: {  	s4 =	sand.u32 $0x4000, s31;
	s1 =	sadd.s32 s1, s30  }
0xc9: {  	s0 =	sor.u32 s4, s0;
	s1 =	sshll.u32 s1, $0x11  }
0xca: {  	s0 =	sor.u32 s1, s0  }
0xcb: {  	s0 =	sadd.s32 $0x8F2B, s0  }
0xcc: {  	[sflag:s0] =	ssyncadd.remote.s32 $0x1  }
0xcd: {  	_ =	sfence.sel $0xFFFF  }
0xce: {  	[dreg:$0x0] =	wrdreg $0xFFFFFFFF;
	(pc) =	sbr.abs _section_cstart, $3  }
0xcf: {  	[dreg:$0x1] =	wrdreg $0xFFFFFFFF  }
0xd0: {  	_ =	task.clear_ibuf [dreg:s22], $0x2FFFF;
	_ =	strace $0x9FFFFFFF  }
0xd1: {  	(tm) =	ssettm $0x7FFFFFFF  }
tec
execute0_lowered:
.L_overlay_start_1:
0x0: {  	(tag) =	ssettag $0x1  }
0x1: {  	s1 =	srdreg.scid  }
0x2: {  	s0 =	stileid.u32;
	s7 =	rddreg [dreg:$0x0]  }
0x3: {  	s2 =	rddreg [dreg:$0x1];
	s3 =	simm.s32 $0x0;
	s12 =	simm.s32 $0x2800  }
0x4: {  	s13 =	simm.s32 $0x80;
	s14 =	simm.s32 $0x0;
	s8 =	smul.u32 $0x13C00, s0  }
0x5: {  	s6 =	sand.u32 $0x1, s1;
	s29 =	sshll.u32 s0, $0x1;
	s10 =	smul.u32 $0x4F000, s0  }
0x6: {  	[smem:$0x7FF] =	sst s3;
	s1 =	sor.u32 s6, s29;
	s5 =	smul.u32 $0x13C000, s6  }
0x7: {  	s31 =	sshll.u32 s0, $0x6;
	s6 =	ssub.s32 $0x2, s6;
	s4 =	smul.u32 $0x500, s1  }
0x8: {  	s1 =	rddreg [dreg:$0x2];
	_ =	strace $0x8000004A;
	s30 =	sshrl.u32 s6, $0x1  }
0x9: {  	s10 =	sshrl.u32 s10, $0x2;
	s8 =	sadd.s32 s8, s5;
	s5 =	sadd.s32 $0x69000, s7  }
0xa: {  	s11 =	ssub.s32 s6, s30;
	s10 =	sadd.s32 s10, s2;
	s6 =	sor.u32 $0x1C01, s31  }
0xb: {  	s9 =	sadd.s32 s4, s7;
	s4 =	sadd.s32 $0x17800, s7;
	s8 =	sshrl.u32 s8, $0x3  }
0xc: {  	s10 =	sshrl.u32 s10, $0x3;
	s8 =	sadd.s32 s8, s7;
	s7 =	sadd.s32 $0x3800, s9  }
0xd: {  	s9 =	smax.u32 s11, $0x1;
	s11 =	simm.s32 $0x1;
	s8 =	sadd.s32 $0x69800, s8  }
.LBB2_1:
0xe: {  	[spmem:s10], [sflag:s6] =	dma.local [hbm:s4], $0x2780  }
0xf: {  	_ =	swait.ge [sflag:s11], $0x2780  }
0x10: {  	[sflag:s11] =	ssyncset.done $0x0  }
0x11: {  	[sflag:s11] =	ssyncadd.s32 $0xFFFFD880  }
0x12: {  	[tilespmem:s12], [sflag:$0x1] =	stream.linear.gather [hbm4b:s5+s3], $0x4000, $0x38;
	[tilespmem:$0x1A400] =	vst v63  }
0x13: {  	_ =	swait.ge [sflag:s11], $0x4000  }
0x14: {  	[sflag:s11] =	ssyncset.done $0x0  }
0x15: {  	[sflag:s11] =	ssyncadd.s32 $0xFFFFC000  }
0x16: {  	[tilespmem:s3], [sflag:$0x1] =	stream.linear.gather [hbm4b:s7+s3], $0x2780, $0x38;
	[tilespmem:$0x1A400] =	vst v63  }
0x17: {  	_ =	swait.ge [sflag:s11], $0x2780  }
0x18: {  	[sflag:s11] =	ssyncset.done $0x0  }
0x19: {  	[sflag:s11] =	ssyncadd.s32 $0xFFFFD880  }
0x1a: {  	s15 =	simm.s32 $0x0;
	[bflag:$0x0] =	sbarrier.arrive $0xFFFF  }
0x1b: {  	[spmem:s2] =	stream.indirect.scatter.add.f32 [tilespmem:s12], [sflag:$0x1], $0x80, s15, s13, $0xb8;
	[tilespmem:$0x1A400] =	vst v63  }
0x1c: {  	_ =	swait.ge [sflag:s11], $0x4000  }
0x1d: {  	s15 =	simm.s32 $0x200;
	[sflag:s11] =	ssyncset.done $0x0  }
.LBB2_2:
0x1e: {  	s16 =	sshra.s32 s15, $0x2;
	[sflag:s11] =	ssyncadd.s32 $0xFFFFC000;
	p0 =	sne.s32 s15, $0x9C00  }
0x1f: {  	[spmem:s2] =	stream.indirect.scatter.add.f32 [tilespmem:s12], [sflag:$0x1], $0x80, s16, s13, $0xb8;
	[tilespmem:$0x1A400] =	vst v63  }
.Ltmp0:
0x20: {  	_ = 	snop;
	(pc) =	sbr.rel @p0 .LBB2_2-.Ltmp0, $4  }
0x21: {  	_ = 	snop  }
0x22: {  	s15 =	sadd.s32 $0x200, s15  }
0x23: {  	_ =	swait.ge [sflag:s11], $0x4000  }
0x24: {  	[sflag:s11] =	ssyncset.done $0x0  }
0x25: {  	s14 =	sadd.s32 $0x1, s14  }
0x26: {  	[sflag:s11] =	ssyncadd.s32 $0xFFFFC000;
	p0 =	sne.s32 s14, s9  }
.Ltmp1:
0x27: {  	[bflag:$0x0] =	sbarrier.arrive $0xFFFF;
	(pc) =	sbr.rel @p0 .LBB2_1-.Ltmp1, $4  }
0x28: {  	[hbm:s8], [sflag:s6] =	dma.local [spmem:s10], $0x2780  }
0x29: {  	_ =	swait.ge [sflag:s11], $0x2780  }
0x2a: {  	[sflag:s11] =	ssyncset.done $0x0  }
0x2b: {  	[sflag:s11] =	ssyncadd.s32 $0xFFFFD880  }
0x2c: {  	_ =	sfence.sel $0x180000  }
0x2d: {  	[bflag:$0x0] =	sbarrier.arrive $0xFFFF  }
0x2e: {  	p0 =	sne.s32 s0, $0x0;
	_ =	strace $0x9000004A  }
0x2f: {  	s0 =	sadd.s32 @!p0 $0x100000, s1;
	[bflag:$0x2] =	sbarrier.arrive $0xFFFF  }
0x30: {  	[sflag:s0] =	ssyncadd.tile.s32 @!p0 $0x1;
	_ =	shalt  }
.Lfunc_end2:
_tile_overlayer_lowered:
.L_overlay_start_2:
0x31: {  	(tag) =	ssettag $0x2  }
0x32: {  	s0 =	rddreg [dreg:$0x0];
	s2 =	stileid.u32  }
0x33: {  	s1 =	rddreg [dreg:$0x1];
	p0 =	sne.s32 s2, $0x0  }
0x34: {  	s3 =	rddreg [dreg:$0x2];
	[bflag:$0x3] =	sbarrier.arrive $0xFFFF;
	s2 =	simm.s32 @!p0 $0x1C01  }
0x35: {  	[timem:s3], [sflag:s2] =	dma.local @!p0 [hbm:s0], s1  }
0x36: {  	s0 =	simm.s32 @!p0 $0x1  }
0x37: {  	_ =	swait.ge @!p0 [sflag:s0], s1  }
0x38: {  	s1 =	ssub.s32 @!p0 $0x0, s1;
	[sflag:s0] =	ssyncset.done @!p0 $0x0  }
0x39: {  	[sflag:s0] =	ssyncadd.s32 @!p0 s1  }
0x3a: {  	[bflag:$0x3] =	sbarrier.arrive $0xFFFF  }
0x3b: {  	_ =	shalt  }

</sc_bundles>
